<compile_context>
chip_gen: v7x
topology: tpu7x:2x2x1
jax: 0.10.2.dev20260603
libtpu: 0.0.44.dev20260713+nightly
codegen_flags: <defaults>
</compile_context>

<pallas_src>
import functools

import jax
import jax.numpy as jnp
from jax import lax
from jax.experimental import pallas as pl
from jax.experimental.pallas import tpu as pltpu
from jax.experimental.pallas import tpu_sc as plsc

N = 4194304
NC, NS, L = 2, 16, 16
NW = NC * NS
EPT = N // NW
CHUNK = 8192
NCHUNK = EPT // CHUNK
K = 512
LO, HI = -9.0, 11.0
SCALE = K / (HI - LO)
UNROLL = 8


def _sc_hist_body(l_hbm, t_hbm, cp_hbm, s_hbm,
                  lbuf0, tbuf0, lbuf1, tbuf1, cph, sh,
                  sl0, st0, sl1, st1):
    wid = lax.axis_index("s") * NC + lax.axis_index("c")
    lane = lax.broadcasted_iota(jnp.int32, (L,), 0)
    izeros = jnp.zeros((L,), jnp.int32)
    fzeros = jnp.zeros((L,), jnp.float32)

    def start(g, lbuf, tbuf, sl, st):
        base = wid * EPT + g * CHUNK
        pltpu.async_copy(l_hbm.at[pl.ds(base, CHUNK)], lbuf, sl)
        pltpu.async_copy(t_hbm.at[pl.ds(base, CHUNK)], tbuf, st)

    def wait(g, lbuf, tbuf, sl, st):
        base = wid * EPT + g * CHUNK
        pltpu.make_async_copy(l_hbm.at[pl.ds(base, CHUNK)], lbuf, sl).wait()
        pltpu.make_async_copy(t_hbm.at[pl.ds(base, CHUNK)], tbuf, st).wait()

    def process(lbuf, tbuf):
        @plsc.parallel_loop(0, CHUNK // L, 1, unroll=UNROLL)
        def _vec(j):
            off = j * L
            l16 = lbuf[pl.ds(off, L)]
            t16 = tbuf[pl.ds(off, L)]
            tf = t16.astype(jnp.float32)
            e = 1.0 - l16 * (2.0 * tf - 1.0)
            u01 = jnp.clip((HI - e) * SCALE, 0.0, K - 1.0)
            idx = u01.astype(jnp.int32)
            plsc.addupdate_scatter(cph, [lane, idx], 1 + (t16 << 16))
            plsc.addupdate_scatter(sh, [lane, idx], jnp.maximum(e, 0.0))

    start(0, lbuf0, tbuf0, sl0, st0)
    start(1, lbuf1, tbuf1, sl1, st1)

    @plsc.parallel_loop(0, K // L, 1, unroll=4)
    def _zero(i):
        for r in range(L):
            cph[r, pl.ds(i * L, L)] = izeros
            sh[r, pl.ds(i * L, L)] = fzeros

    def outer(m, carry):
        g0 = 2 * m
        wait(g0, lbuf0, tbuf0, sl0, st0)
        process(lbuf0, tbuf0)

        @pl.when(m + 1 < NCHUNK // 2)
        def _():
            start(g0 + 2, lbuf0, tbuf0, sl0, st0)

        wait(g0 + 1, lbuf1, tbuf1, sl1, st1)
        process(lbuf1, tbuf1)

        @pl.when(m + 1 < NCHUNK // 2)
        def _():
            start(g0 + 3, lbuf1, tbuf1, sl1, st1)

        return carry

    lax.fori_loop(0, NCHUNK // 2, outer, 0)

    pltpu.sync_copy(cph, cp_hbm.at[pl.ds(wid * L, L), :])
    pltpu.sync_copy(sh, s_hbm.at[pl.ds(wid * L, L), :])


@functools.cache
def _sc_hist():
    return pl.kernel(
        _sc_hist_body,
        out_type=(
            jax.ShapeDtypeStruct((NW * L, K), jnp.int32),
            jax.ShapeDtypeStruct((NW * L, K), jnp.float32),
        ),
        mesh=plsc.VectorSubcoreMesh(core_axis_name="c", subcore_axis_name="s"),
        compiler_params=pltpu.CompilerParams(needs_layout_passes=False),
        scratch_types=[
            pltpu.VMEM((CHUNK,), jnp.float32),
            pltpu.VMEM((CHUNK,), jnp.int32),
            pltpu.VMEM((CHUNK,), jnp.float32),
            pltpu.VMEM((CHUNK,), jnp.int32),
            pltpu.VMEM((L, K), jnp.int32),
            pltpu.VMEM((L, K), jnp.float32),
            pltpu.SemaphoreType.DMA,
            pltpu.SemaphoreType.DMA,
            pltpu.SemaphoreType.DMA,
            pltpu.SemaphoreType.DMA,
        ],
    )


def _tc_finish_body(cp_ref, s_ref, out_ref):
    cp = cp_ref[...]
    c = jnp.sum(cp & 0xFFFF, axis=0, keepdims=True).astype(jnp.float32)
    p = jnp.sum(cp >> 16, axis=0, keepdims=True).astype(jnp.float32)
    s = jnp.sum(s_ref[...], axis=0, keepdims=True)
    total_pos = jnp.sum(p)
    n = jnp.float32(N)

    ii = lax.broadcasted_iota(jnp.int32, (K, K), 0)
    jj = lax.broadcasted_iota(jnp.int32, (K, K), 1)
    strict_lower = (ii < jj).astype(jnp.float32)
    dims = (((1,), (0,)), ((), ()))
    r_excl = lax.dot_general(c, strict_lower, dims,
                             precision=lax.Precision.HIGHEST,
                             preferred_element_type=jnp.float32)
    p_excl = lax.dot_general(p, strict_lower, dims,
                             precision=lax.Precision.HIGHEST,
                             preferred_element_type=jnp.float32)
    denom = n - r_excl - (c - 1.0) * 0.5
    numer = total_pos - p_excl - p * 0.5
    out_ref[...] = jnp.sum(s * numer / denom).reshape(1, 1)


def _tc_finish(cp2d, s2d):
    return pl.pallas_call(
        _tc_finish_body,
        out_shape=jax.ShapeDtypeStruct((1, 1), jnp.float32),
    )(cp2d, s2d)


def kernel(logits, targets):
    t = targets.astype(jnp.int32)
    cp, s = _sc_hist()(logits, t)
    loss = _tc_finish(cp, s)
    return loss.reshape(())

# --- scband reference (transcript-rebuilt; emitter-appended) ---
"""Pipeline reference for scband-lovasz-loss-90469191123020 (READ-ONLY COPY).

The authoritative reference and input builder live on the scoring server;
editing this copy changes nothing except your own understanding.
"""

import jax, jax.numpy as jnp
import numpy as np

N = 4194304

def setup_inputs(seed: int = 0) -> dict:
    key = jax.random.key(seed)
    k1, k2 = jax.random.split(key)
    logits = jax.random.normal(k1, (N,), dtype=jnp.float32)
    targets = jax.random.randint(k2, (N,), 0, 2, dtype=jnp.int64)
    return {"logits": logits, "targets": targets}

def _lovasz_grad(gt_sorted):
    # gt_sorted: float32[N]
    n = gt_sorted.shape[0]
    intersection = gt_sorted.sum()
    cum = jnp.cumsum(gt_sorted)
    # prev_cum[i] = sum(gt_sorted[:i])
    prev_cum = jnp.concatenate([jnp.zeros((1,), dtype=gt_sorted.dtype), cum[:-1]])
    idx = jnp.arange(n, dtype=gt_sorted.dtype)
    grad = (intersection - prev_cum) / (jnp.asarray(n, dtype=gt_sorted.dtype) - idx)
    # original loop leaves grad[0] = 0
    grad = grad.at[0].set(0.0)
    return grad

def reference(logits, targets):
    signs = (2 * targets - 1).astype(logits.dtype)
    errors = 1.0 - logits * signs
    # torch.sort(..., descending=True)
    perm = jnp.argsort(-errors)
    errors_sorted = errors[perm]
    gt_sorted = targets[perm].astype(jnp.float32)
    grad = _lovasz_grad(gt_sorted)
    loss = jnp.dot(jax.nn.relu(errors_sorted), grad)
    return loss

if __name__ == "__main__":
    import jax
    _d = setup_inputs()
    print(jax.jit(kernel)(*tuple(_d.values())))

</pallas_src>

<mosaic_0001>
#map = affine_map<(d0, d1) -> (0)>
#map1 = affine_map<(d0, d1) -> (0, 0)>
module attributes {stable_mosaic.version = 14 : i64} {
  func.func @_sc_hist_body(%arg0: i32, %arg1: i32, %arg2: memref<4194304xf32, #tpu.memory_space<hbm>>, %arg3: memref<4194304xi32, #tpu.memory_space<hbm>>, %arg4: memref<512x512xi32, #tpu.memory_space<hbm>>, %arg5: memref<512x512xf32, #tpu.memory_space<hbm>>, %arg6: memref<8192xf32, #tpu.memory_space<vmem>>, %arg7: memref<8192xi32, #tpu.memory_space<vmem>>, %arg8: memref<8192xf32, #tpu.memory_space<vmem>>, %arg9: memref<8192xi32, #tpu.memory_space<vmem>>, %arg10: memref<16x512xi32, #tpu.memory_space<vmem>>, %arg11: memref<16x512xf32, #tpu.memory_space<vmem>>, %arg12: memref<!tpu.dma_semaphore, #tpu.memory_space<semaphore_mem>>, %arg13: memref<!tpu.dma_semaphore, #tpu.memory_space<semaphore_mem>>, %arg14: memref<!tpu.dma_semaphore, #tpu.memory_space<semaphore_mem>>, %arg15: memref<!tpu.dma_semaphore, #tpu.memory_space<semaphore_mem>>) attributes {dimension_semantics = [#tpu.dimension_semantics<core_parallel>, #tpu.dimension_semantics<subcore_parallel>], iteration_bounds = array<i64: 2, 16>, scalar_prefetch = 0 : i64, scratch_operands = 10 : i64, tpu.core_type = #tpu.core_type<sc_vector_subcore>, window_params = [{transform_indices = #map}, {transform_indices = #map}, {transform_indices = #map1}, {transform_indices = #map1}]} {
    %mul3A = arith.constant 2 : i32
    %mul3A_0 = arith.muli %arg1, %mul3A : i32
    %add3A = arith.addi %mul3A_0, %arg0 : i32
    %iota3A = tpu.iota {dimensions = array<i32: 0>} : vector<16xi32>
    %broadcast_in_dim3A = arith.constant 0 : i32
    %broadcast_in_dim3A_1 = vector.broadcast %broadcast_in_dim3A : i32 to vector<16xi32>
    %broadcast_in_dim3A_2 = arith.constant 0.000000e+00 : f32
    %broadcast_in_dim3A_3 = vector.broadcast %broadcast_in_dim3A_2 : f32 to vector<16xf32>
    %mul3A_4 = arith.constant 131072 : i32
    %mul3A_5 = arith.muli %add3A, %mul3A_4 : i32
    %add3A_6 = arith.constant 0 : i32
    %add3A_7 = arith.addi %mul3A_5, %add3A_6 : i32
    %dma_start3A = tpu.memref_slice %arg2[%add3A_7] : memref<4194304xf32, #tpu.memory_space<hbm>> -> memref<8192xf32, #tpu.memory_space<hbm>>
    %dma_start3A_8 = tpu.memref_slice %arg2[%add3A_7] : memref<4194304xf32, #tpu.memory_space<hbm>> -> memref<8192xf32, #tpu.memory_space<hbm>>
    tpu.enqueue_dma source(%dma_start3A_8 : memref<8192xf32, #tpu.memory_space<hbm>>) target(%arg6 : memref<8192xf32, #tpu.memory_space<vmem>>) target_semaphore(%arg12 : memref<!tpu.dma_semaphore, #tpu.memory_space<semaphore_mem>>)
    %dma_start3A_9 = tpu.memref_slice %arg3[%add3A_7] : memref<4194304xi32, #tpu.memory_space<hbm>> -> memref<8192xi32, #tpu.memory_space<hbm>>
    %dma_start3A_10 = tpu.memref_slice %arg3[%add3A_7] : memref<4194304xi32, #tpu.memory_space<hbm>> -> memref<8192xi32, #tpu.memory_space<hbm>>
    tpu.enqueue_dma source(%dma_start3A_10 : memref<8192xi32, #tpu.memory_space<hbm>>) target(%arg7 : memref<8192xi32, #tpu.memory_space<vmem>>) target_semaphore(%arg13 : memref<!tpu.dma_semaphore, #tpu.memory_space<semaphore_mem>>)
    %mul3A_11 = arith.constant 131072 : i32
    %mul3A_12 = arith.muli %add3A, %mul3A_11 : i32
    %add3A_13 = arith.constant 8192 : i32
    %add3A_14 = arith.addi %mul3A_12, %add3A_13 : i32
    %dma_start3A_15 = tpu.memref_slice %arg2[%add3A_14] : memref<4194304xf32, #tpu.memory_space<hbm>> -> memref<8192xf32, #tpu.memory_space<hbm>>
    %dma_start3A_16 = tpu.memref_slice %arg2[%add3A_14] : memref<4194304xf32, #tpu.memory_space<hbm>> -> memref<8192xf32, #tpu.memory_space<hbm>>
    tpu.enqueue_dma source(%dma_start3A_16 : memref<8192xf32, #tpu.memory_space<hbm>>) target(%arg8 : memref<8192xf32, #tpu.memory_space<vmem>>) target_semaphore(%arg14 : memref<!tpu.dma_semaphore, #tpu.memory_space<semaphore_mem>>)
    %dma_start3A_17 = tpu.memref_slice %arg3[%add3A_14] : memref<4194304xi32, #tpu.memory_space<hbm>> -> memref<8192xi32, #tpu.memory_space<hbm>>
    %dma_start3A_18 = tpu.memref_slice %arg3[%add3A_14] : memref<4194304xi32, #tpu.memory_space<hbm>> -> memref<8192xi32, #tpu.memory_space<hbm>>
    tpu.enqueue_dma source(%dma_start3A_18 : memref<8192xi32, #tpu.memory_space<hbm>>) target(%arg9 : memref<8192xi32, #tpu.memory_space<vmem>>) target_semaphore(%arg15 : memref<!tpu.dma_semaphore, #tpu.memory_space<semaphore_mem>>)
    %parallel_loop3A = arith.constant 0 : i32
    %parallel_loop3A_19 = arith.constant 32 : i32
    %parallel_loop3A_20 = arith.constant 1 : i32
    scf.for %parallel_loop3A_30 = %parallel_loop3A to %parallel_loop3A_19 step %parallel_loop3A_20  : i32 {
      %parallel_loop3A_31 = arith.constant 16 : i32
      %parallel_loop3A_32 = arith.muli %parallel_loop3A_30, %parallel_loop3A_31 : i32
      %parallel_loop3A_33 = arith.constant 0 : i32
      %parallel_loop3A_34 = arith.index_cast %parallel_loop3A_33 : i32 to index
      %parallel_loop3A_35 = arith.index_cast %parallel_loop3A_32 : i32 to index
      %parallel_loop3A_36 = tpu.vector_load %arg10[%parallel_loop3A_34, %parallel_loop3A_35] {strides = array<i32>} : memref<16x512xi32, #tpu.memory_space<vmem>>, vector<16xi32>,
      tpu.vector_store %arg10[%parallel_loop3A_34, %parallel_loop3A_35], %broadcast_in_dim3A_1 {strides = array<i32>} : memref<16x512xi32, #tpu.memory_space<vmem>>, vector<16xi32>,
      %parallel_loop3A_37 = arith.constant 16 : i32
      %parallel_loop3A_38 = arith.muli %parallel_loop3A_30, %parallel_loop3A_37 : i32
      %parallel_loop3A_39 = arith.constant 0 : i32
      %parallel_loop3A_40 = arith.index_cast %parallel_loop3A_39 : i32 to index
      %parallel_loop3A_41 = arith.index_cast %parallel_loop3A_38 : i32 to index
      %parallel_loop3A_42 = tpu.vector_load %arg11[%parallel_loop3A_40, %parallel_loop3A_41] {strides = array<i32>} : memref<16x512xf32, #tpu.memory_space<vmem>>, vector<16xf32>,
      tpu.vector_store %arg11[%parallel_loop3A_40, %parallel_loop3A_41], %broadcast_in_dim3A_3 {strides = array<i32>} : memref<16x512xf32, #tpu.memory_space<vmem>>, vector<16xf32>,
      %parallel_loop3A_43 = arith.constant 16 : i32
      %parallel_loop3A_44 = arith.muli %parallel_loop3A_30, %parallel_loop3A_43 : i32
      %parallel_loop3A_45 = arith.constant 1 : i32
      %parallel_loop3A_46 = arith.index_cast %parallel_loop3A_45 : i32 to index
      %parallel_loop3A_47 = arith.index_cast %parallel_loop3A_44 : i32 to index
      %parallel_loop3A_48 = tpu.vector_load %arg10[%parallel_loop3A_46, %parallel_loop3A_47] {strides = array<i32>} : memref<16x512xi32, #tpu.memory_space<vmem>>, vector<16xi32>,
      tpu.vector_store %arg10[%parallel_loop3A_46, %parallel_loop3A_47], %broadcast_in_dim3A_1 {strides = array<i32>} : memref<16x512xi32, #tpu.memory_space<vmem>>, vector<16xi32>,
      %parallel_loop3A_49 = arith.constant 16 : i32
      %parallel_loop3A_50 = arith.muli %parallel_loop3A_30, %parallel_loop3A_49 : i32
      %parallel_loop3A_51 = arith.constant 1 : i32
      %parallel_loop3A_52 = arith.index_cast %parallel_loop3A_51 : i32 to index
      %parallel_loop3A_53 = arith.index_cast %parallel_loop3A_50 : i32 to index
      %parallel_loop3A_54 = tpu.vector_load %arg11[%parallel_loop3A_52, %parallel_loop3A_53] {strides = array<i32>} : memref<16x512xf32, #tpu.memory_space<vmem>>, vector<16xf32>,
      tpu.vector_store %arg11[%parallel_loop3A_52, %parallel_loop3A_53], %broadcast_in_dim3A_3 {strides = array<i32>} : memref<16x512xf32, #tpu.memory_space<vmem>>, vector<16xf32>,
      %parallel_loop3A_55 = arith.constant 16 : i32
      %parallel_loop3A_56 = arith.muli %parallel_loop3A_30, %parallel_loop3A_55 : i32
      %parallel_loop3A_57 = arith.constant 2 : i32
      %parallel_loop3A_58 = arith.index_cast %parallel_loop3A_57 : i32 to index
      %parallel_loop3A_59 = arith.index_cast %parallel_loop3A_56 : i32 to index
      %parallel_loop3A_60 = tpu.vector_load %arg10[%parallel_loop3A_58, %parallel_loop3A_59] {strides = array<i32>} : memref<16x512xi32, #tpu.memory_space<vmem>>, vector<16xi32>,
      tpu.vector_store %arg10[%parallel_loop3A_58, %parallel_loop3A_59], %broadcast_in_dim3A_1 {strides = array<i32>} : memref<16x512xi32, #tpu.memory_space<vmem>>, vector<16xi32>,
      %parallel_loop3A_61 = arith.constant 16 : i32
      %parallel_loop3A_62 = arith.muli %parallel_loop3A_30, %parallel_loop3A_61 : i32
      %parallel_loop3A_63 = arith.constant 2 : i32
      %parallel_loop3A_64 = arith.index_cast %parallel_loop3A_63 : i32 to index
      %parallel_loop3A_65 = arith.index_cast %parallel_loop3A_62 : i32 to index
      %parallel_loop3A_66 = tpu.vector_load %arg11[%parallel_loop3A_64, %parallel_loop3A_65] {strides = array<i32>} : memref<16x512xf32, #tpu.memory_space<vmem>>, vector<16xf32>,
      tpu.vector_store %arg11[%parallel_loop3A_64, %parallel_loop3A_65], %broadcast_in_dim3A_3 {strides = array<i32>} : memref<16x512xf32, #tpu.memory_space<vmem>>, vector<16xf32>,
      %parallel_loop3A_67 = arith.constant 16 : i32
      %parallel_loop3A_68 = arith.muli %parallel_loop3A_30, %parallel_loop3A_67 : i32
      %parallel_loop3A_69 = arith.constant 3 : i32
      %parallel_loop3A_70 = arith.index_cast %parallel_loop3A_69 : i32 to index
      %parallel_loop3A_71 = arith.index_cast %parallel_loop3A_68 : i32 to index
      %parallel_loop3A_72 = tpu.vector_load %arg10[%parallel_loop3A_70, %parallel_loop3A_71] {strides = array<i32>} : memref<16x512xi32, #tpu.memory_space<vmem>>, vector<16xi32>,
      tpu.vector_store %arg10[%parallel_loop3A_70, %parallel_loop3A_71], %broadcast_in_dim3A_1 {strides = array<i32>} : memref<16x512xi32, #tpu.memory_space<vmem>>, vector<16xi32>,
      %parallel_loop3A_73 = arith.constant 16 : i32
      %parallel_loop3A_74 = arith.muli %parallel_loop3A_30, %parallel_loop3A_73 : i32
      %parallel_loop3A_75 = arith.constant 3 : i32
      %parallel_loop3A_76 = arith.index_cast %parallel_loop3A_75 : i32 to index
      %parallel_loop3A_77 = arith.index_cast %parallel_loop3A_74 : i32 to index
      %parallel_loop3A_78 = tpu.vector_load %arg11[%parallel_loop3A_76, %parallel_loop3A_77] {strides = array<i32>} : memref<16x512xf32, #tpu.memory_space<vmem>>, vector<16xf32>,
      tpu.vector_store %arg11[%parallel_loop3A_76, %parallel_loop3A_77], %broadcast_in_dim3A_3 {strides = array<i32>} : memref<16x512xf32, #tpu.memory_space<vmem>>, vector<16xf32>,
      %parallel_loop3A_79 = arith.constant 16 : i32
      %parallel_loop3A_80 = arith.muli %parallel_loop3A_30, %parallel_loop3A_79 : i32
      %parallel_loop3A_81 = arith.constant 4 : i32
      %parallel_loop3A_82 = arith.index_cast %parallel_loop3A_81 : i32 to index
      %parallel_loop3A_83 = arith.index_cast %parallel_loop3A_80 : i32 to index
      %parallel_loop3A_84 = tpu.vector_load %arg10[%parallel_loop3A_82, %parallel_loop3A_83] {strides = array<i32>} : memref<16x512xi32, #tpu.memory_space<vmem>>, vector<16xi32>,
      tpu.vector_store %arg10[%parallel_loop3A_82, %parallel_loop3A_83], %broadcast_in_dim3A_1 {strides = array<i32>} : memref<16x512xi32, #tpu.memory_space<vmem>>, vector<16xi32>,
      %parallel_loop3A_85 = arith.constant 16 : i32
      %parallel_loop3A_86 = arith.muli %parallel_loop3A_30, %parallel_loop3A_85 : i32
      %parallel_loop3A_87 = arith.constant 4 : i32
      %parallel_loop3A_88 = arith.index_cast %parallel_loop3A_87 : i32 to index
      %parallel_loop3A_89 = arith.index_cast %parallel_loop3A_86 : i32 to index
      %parallel_loop3A_90 = tpu.vector_load %arg11[%parallel_loop3A_88, %parallel_loop3A_89] {strides = array<i32>} : memref<16x512xf32, #tpu.memory_space<vmem>>, vector<16xf32>,
      tpu.vector_store %arg11[%parallel_loop3A_88, %parallel_loop3A_89], %broadcast_in_dim3A_3 {strides = array<i32>} : memref<16x512xf32, #tpu.memory_space<vmem>>, vector<16xf32>,
      %parallel_loop3A_91 = arith.constant 16 : i32
      %parallel_loop3A_92 = arith.muli %parallel_loop3A_30, %parallel_loop3A_91 : i32
      %parallel_loop3A_93 = arith.constant 5 : i32
      %parallel_loop3A_94 = arith.index_cast %parallel_loop3A_93 : i32 to index
      %parallel_loop3A_95 = arith.index_cast %parallel_loop3A_92 : i32 to index
      %parallel_loop3A_96 = tpu.vector_load %arg10[%parallel_loop3A_94, %parallel_loop3A_95] {strides = array<i32>} : memref<16x512xi32, #tpu.memory_space<vmem>>, vector<16xi32>,
      tpu.vector_store %arg10[%parallel_loop3A_94, %parallel_loop3A_95], %broadcast_in_dim3A_1 {strides = array<i32>} : memref<16x512xi32, #tpu.memory_space<vmem>>, vector<16xi32>,
      %parallel_loop3A_97 = arith.constant 16 : i32
      %parallel_loop3A_98 = arith.muli %parallel_loop3A_30, %parallel_loop3A_97 : i32
      %parallel_loop3A_99 = arith.constant 5 : i32
      %parallel_loop3A_100 = arith.index_cast %parallel_loop3A_99 : i32 to index
      %parallel_loop3A_101 = arith.index_cast %parallel_loop3A_98 : i32 to index
      %parallel_loop3A_102 = tpu.vector_load %arg11[%parallel_loop3A_100, %parallel_loop3A_101] {strides = array<i32>} : memref<16x512xf32, #tpu.memory_space<vmem>>, vector<16xf32>,
      tpu.vector_store %arg11[%parallel_loop3A_100, %parallel_loop3A_101], %broadcast_in_dim3A_3 {strides = array<i32>} : memref<16x512xf32, #tpu.memory_space<vmem>>, vector<16xf32>,
      %parallel_loop3A_103 = arith.constant 16 : i32
      %parallel_loop3A_104 = arith.muli %parallel_loop3A_30, %parallel_loop3A_103 : i32
      %parallel_loop3A_105 = arith.constant 6 : i32
      %parallel_loop3A_106 = arith.index_cast %parallel_loop3A_105 : i32 to index
      %parallel_loop3A_107 = arith.index_cast %parallel_loop3A_104 : i32 to index
      %parallel_loop3A_108 = tpu.vector_load %arg10[%parallel_loop3A_106, %parallel_loop3A_107] {strides = array<i32>} : memref<16x512xi32, #tpu.memory_space<vmem>>, vector<16xi32>,
      tpu.vector_store %arg10[%parallel_loop3A_106, %parallel_loop3A_107], %broadcast_in_dim3A_1 {strides = array<i32>} : memref<16x512xi32, #tpu.memory_space<vmem>>, vector<16xi32>,
      %parallel_loop3A_109 = arith.constant 16 : i32
      %parallel_loop3A_110 = arith.muli %parallel_loop3A_30, %parallel_loop3A_109 : i32
      %parallel_loop3A_111 = arith.constant 6 : i32
      %parallel_loop3A_112 = arith.index_cast %parallel_loop3A_111 : i32 to index
      %parallel_loop3A_113 = arith.index_cast %parallel_loop3A_110 : i32 to index
      %parallel_loop3A_114 = tpu.vector_load %arg11[%parallel_loop3A_112, %parallel_loop3A_113] {strides = array<i32>} : memref<16x512xf32, #tpu.memory_space<vmem>>, vector<16xf32>,
      tpu.vector_store %arg11[%parallel_loop3A_112, %parallel_loop3A_113], %broadcast_in_dim3A_3 {strides = array<i32>} : memref<16x512xf32, #tpu.memory_space<vmem>>, vector<16xf32>,
      %parallel_loop3A_115 = arith.constant 16 : i32
      %parallel_loop3A_116 = arith.muli %parallel_loop3A_30, %parallel_loop3A_115 : i32
      %parallel_loop3A_117 = arith.constant 7 : i32
      %parallel_loop3A_118 = arith.index_cast %parallel_loop3A_117 : i32 to index
      %parallel_loop3A_119 = arith.index_cast %parallel_loop3A_116 : i32 to index
      %parallel_loop3A_120 = tpu.vector_load %arg10[%parallel_loop3A_118, %parallel_loop3A_119] {strides = array<i32>} : memref<16x512xi32, #tpu.memory_space<vmem>>, vector<16xi32>,
      tpu.vector_store %arg10[%parallel_loop3A_118, %parallel_loop3A_119], %broadcast_in_dim3A_1 {strides = array<i32>} : memref<16x512xi32, #tpu.memory_space<vmem>>, vector<16xi32>,
      %parallel_loop3A_121 = arith.constant 16 : i32
      %parallel_loop3A_122 = arith.muli %parallel_loop3A_30, %parallel_loop3A_121 : i32
      %parallel_loop3A_123 = arith.constant 7 : i32
      %parallel_loop3A_124 = arith.index_cast %parallel_loop3A_123 : i32 to index
      %parallel_loop3A_125 = arith.index_cast %parallel_loop3A_122 : i32 to index
      %parallel_loop3A_126 = tpu.vector_load %arg11[%parallel_loop3A_124, %parallel_loop3A_125] {strides = array<i32>} : memref<16x512xf32, #tpu.memory_space<vmem>>, vector<16xf32>,
      tpu.vector_store %arg11[%parallel_loop3A_124, %parallel_loop3A_125], %broadcast_in_dim3A_3 {strides = array<i32>} : memref<16x512xf32, #tpu.memory_space<vmem>>, vector<16xf32>,
      %parallel_loop3A_127 = arith.constant 16 : i32
      %parallel_loop3A_128 = arith.muli %parallel_loop3A_30, %parallel_loop3A_127 : i32
      %parallel_loop3A_129 = arith.constant 8 : i32
      %parallel_loop3A_130 = arith.index_cast %parallel_loop3A_129 : i32 to index
      %parallel_loop3A_131 = arith.index_cast %parallel_loop3A_128 : i32 to index
      %parallel_loop3A_132 = tpu.vector_load %arg10[%parallel_loop3A_130, %parallel_loop3A_131] {strides = array<i32>} : memref<16x512xi32, #tpu.memory_space<vmem>>, vector<16xi32>,
      tpu.vector_store %arg10[%parallel_loop3A_130, %parallel_loop3A_131], %broadcast_in_dim3A_1 {strides = array<i32>} : memref<16x512xi32, #tpu.memory_space<vmem>>, vector<16xi32>,
      %parallel_loop3A_133 = arith.constant 16 : i32
      %parallel_loop3A_134 = arith.muli %parallel_loop3A_30, %parallel_loop3A_133 : i32
      %parallel_loop3A_135 = arith.constant 8 : i32
      %parallel_loop3A_136 = arith.index_cast %parallel_loop3A_135 : i32 to index
      %parallel_loop3A_137 = arith.index_cast %parallel_loop3A_134 : i32 to index
      %parallel_loop3A_138 = tpu.vector_load %arg11[%parallel_loop3A_136, %parallel_loop3A_137] {strides = array<i32>} : memref<16x512xf32, #tpu.memory_space<vmem>>, vector<16xf32>,
      tpu.vector_store %arg11[%parallel_loop3A_136, %parallel_loop3A_137], %broadcast_in_dim3A_3 {strides = array<i32>} : memref<16x512xf32, #tpu.memory_space<vmem>>, vector<16xf32>,
      %parallel_loop3A_139 = arith.constant 16 : i32
      %parallel_loop3A_140 = arith.muli %parallel_loop3A_30, %parallel_loop3A_139 : i32
      %parallel_loop3A_141 = arith.constant 9 : i32
      %parallel_loop3A_142 = arith.index_cast %parallel_loop3A_141 : i32 to index
      %parallel_loop3A_143 = arith.index_cast %parallel_loop3A_140 : i32 to index
      %parallel_loop3A_144 = tpu.vector_load %arg10[%parallel_loop3A_142, %parallel_loop3A_143] {strides = array<i32>} : memref<16x512xi32, #tpu.memory_space<vmem>>, vector<16xi32>,
      tpu.vector_store %arg10[%parallel_loop3A_142, %parallel_loop3A_143], %broadcast_in_dim3A_1 {strides = array<i32>} : memref<16x512xi32, #tpu.memory_space<vmem>>, vector<16xi32>,
      %parallel_loop3A_145 = arith.constant 16 : i32
      %parallel_loop3A_146 = arith.muli %parallel_loop3A_30, %parallel_loop3A_145 : i32
      %parallel_loop3A_147 = arith.constant 9 : i32
      %parallel_loop3A_148 = arith.index_cast %parallel_loop3A_147 : i32 to index
      %parallel_loop3A_149 = arith.index_cast %parallel_loop3A_146 : i32 to index
      %parallel_loop3A_150 = tpu.vector_load %arg11[%parallel_loop3A_148, %parallel_loop3A_149] {strides = array<i32>} : memref<16x512xf32, #tpu.memory_space<vmem>>, vector<16xf32>,
      tpu.vector_store %arg11[%parallel_loop3A_148, %parallel_loop3A_149], %broadcast_in_dim3A_3 {strides = array<i32>} : memref<16x512xf32, #tpu.memory_space<vmem>>, vector<16xf32>,
      %parallel_loop3A_151 = arith.constant 16 : i32
      %parallel_loop3A_152 = arith.muli %parallel_loop3A_30, %parallel_loop3A_151 : i32
      %parallel_loop3A_153 = arith.constant 10 : i32
      %parallel_loop3A_154 = arith.index_cast %parallel_loop3A_153 : i32 to index
      %parallel_loop3A_155 = arith.index_cast %parallel_loop3A_152 : i32 to index
      %parallel_loop3A_156 = tpu.vector_load %arg10[%parallel_loop3A_154, %parallel_loop3A_155] {strides = array<i32>} : memref<16x512xi32, #tpu.memory_space<vmem>>, vector<16xi32>,
      tpu.vector_store %arg10[%parallel_loop3A_154, %parallel_loop3A_155], %broadcast_in_dim3A_1 {strides = array<i32>} : memref<16x512xi32, #tpu.memory_space<vmem>>, vector<16xi32>,
      %parallel_loop3A_157 = arith.constant 16 : i32
      %parallel_loop3A_158 = arith.muli %parallel_loop3A_30, %parallel_loop3A_157 : i32
      %parallel_loop3A_159 = arith.constant 10 : i32
      %parallel_loop3A_160 = arith.index_cast %parallel_loop3A_159 : i32 to index
      %parallel_loop3A_161 = arith.index_cast %parallel_loop3A_158 : i32 to index
      %parallel_loop3A_162 = tpu.vector_load %arg11[%parallel_loop3A_160, %parallel_loop3A_161] {strides = array<i32>} : memref<16x512xf32, #tpu.memory_space<vmem>>, vector<16xf32>,
      tpu.vector_store %arg11[%parallel_loop3A_160, %parallel_loop3A_161], %broadcast_in_dim3A_3 {strides = array<i32>} : memref<16x512xf32, #tpu.memory_space<vmem>>, vector<16xf32>,
      %parallel_loop3A_163 = arith.constant 16 : i32
      %parallel_loop3A_164 = arith.muli %parallel_loop3A_30, %parallel_loop3A_163 : i32
      %parallel_loop3A_165 = arith.constant 11 : i32
      %parallel_loop3A_166 = arith.index_cast %parallel_loop3A_165 : i32 to index
      %parallel_loop3A_167 = arith.index_cast %parallel_loop3A_164 : i32 to index
      %parallel_loop3A_168 = tpu.vector_load %arg10[%parallel_loop3A_166, %parallel_loop3A_167] {strides = array<i32>} : memref<16x512xi32, #tpu.memory_space<vmem>>, vector<16xi32>,
      tpu.vector_store %arg10[%parallel_loop3A_166, %parallel_loop3A_167], %broadcast_in_dim3A_1 {strides = array<i32>} : memref<16x512xi32, #tpu.memory_space<vmem>>, vector<16xi32>,
      %parallel_loop3A_169 = arith.constant 16 : i32
      %parallel_loop3A_170 = arith.muli %parallel_loop3A_30, %parallel_loop3A_169 : i32
      %parallel_loop3A_171 = arith.constant 11 : i32
      %parallel_loop3A_172 = arith.index_cast %parallel_loop3A_171 : i32 to index
      %parallel_loop3A_173 = arith.index_cast %parallel_loop3A_170 : i32 to index
      %parallel_loop3A_174 = tpu.vector_load %arg11[%parallel_loop3A_172, %parallel_loop3A_173] {strides = array<i32>} : memref<16x512xf32, #tpu.memory_space<vmem>>, vector<16xf32>,
      tpu.vector_store %arg11[%parallel_loop3A_172, %parallel_loop3A_173], %broadcast_in_dim3A_3 {strides = array<i32>} : memref<16x512xf32, #tpu.memory_space<vmem>>, vector<16xf32>,
      %parallel_loop3A_175 = arith.constant 16 : i32
      %parallel_loop3A_176 = arith.muli %parallel_loop3A_30, %parallel_loop3A_175 : i32
      %parallel_loop3A_177 = arith.constant 12 : i32
      %parallel_loop3A_178 = arith.index_cast %parallel_loop3A_177 : i32 to index
      %parallel_loop3A_179 = arith.index_cast %parallel_loop3A_176 : i32 to index
      %parallel_loop3A_180 = tpu.vector_load %arg10[%parallel_loop3A_178, %parallel_loop3A_179] {strides = array<i32>} : memref<16x512xi32, #tpu.memory_space<vmem>>, vector<16xi32>,
      tpu.vector_store %arg10[%parallel_loop3A_178, %parallel_loop3A_179], %broadcast_in_dim3A_1 {strides = array<i32>} : memref<16x512xi32, #tpu.memory_space<vmem>>, vector<16xi32>,
      %parallel_loop3A_181 = arith.constant 16 : i32
      %parallel_loop3A_182 = arith.muli %parallel_loop3A_30, %parallel_loop3A_181 : i32
      %parallel_loop3A_183 = arith.constant 12 : i32
      %parallel_loop3A_184 = arith.index_cast %parallel_loop3A_183 : i32 to index
      %parallel_loop3A_185 = arith.index_cast %parallel_loop3A_182 : i32 to index
      %parallel_loop3A_186 = tpu.vector_load %arg11[%parallel_loop3A_184, %parallel_loop3A_185] {strides = array<i32>} : memref<16x512xf32, #tpu.memory_space<vmem>>, vector<16xf32>,
      tpu.vector_store %arg11[%parallel_loop3A_184, %parallel_loop3A_185], %broadcast_in_dim3A_3 {strides = array<i32>} : memref<16x512xf32, #tpu.memory_space<vmem>>, vector<16xf32>,
      %parallel_loop3A_187 = arith.constant 16 : i32
      %parallel_loop3A_188 = arith.muli %parallel_loop3A_30, %parallel_loop3A_187 : i32
      %parallel_loop3A_189 = arith.constant 13 : i32
      %parallel_loop3A_190 = arith.index_cast %parallel_loop3A_189 : i32 to index
      %parallel_loop3A_191 = arith.index_cast %parallel_loop3A_188 : i32 to index
      %parallel_loop3A_192 = tpu.vector_load %arg10[%parallel_loop3A_190, %parallel_loop3A_191] {strides = array<i32>} : memref<16x512xi32, #tpu.memory_space<vmem>>, vector<16xi32>,
      tpu.vector_store %arg10[%parallel_loop3A_190, %parallel_loop3A_191], %broadcast_in_dim3A_1 {strides = array<i32>} : memref<16x512xi32, #tpu.memory_space<vmem>>, vector<16xi32>,
      %parallel_loop3A_193 = arith.constant 16 : i32
      %parallel_loop3A_194 = arith.muli %parallel_loop3A_30, %parallel_loop3A_193 : i32
      %parallel_loop3A_195 = arith.constant 13 : i32
      %parallel_loop3A_196 = arith.index_cast %parallel_loop3A_195 : i32 to index
      %parallel_loop3A_197 = arith.index_cast %parallel_loop3A_194 : i32 to index
      %parallel_loop3A_198 = tpu.vector_load %arg11[%parallel_loop3A_196, %parallel_loop3A_197] {strides = array<i32>} : memref<16x512xf32, #tpu.memory_space<vmem>>, vector<16xf32>,
      tpu.vector_store %arg11[%parallel_loop3A_196, %parallel_loop3A_197], %broadcast_in_dim3A_3 {strides = array<i32>} : memref<16x512xf32, #tpu.memory_space<vmem>>, vector<16xf32>,
      %parallel_loop3A_199 = arith.constant 16 : i32
      %parallel_loop3A_200 = arith.muli %parallel_loop3A_30, %parallel_loop3A_199 : i32
      %parallel_loop3A_201 = arith.constant 14 : i32
      %parallel_loop3A_202 = arith.index_cast %parallel_loop3A_201 : i32 to index
      %parallel_loop3A_203 = arith.index_cast %parallel_loop3A_200 : i32 to index
      %parallel_loop3A_204 = tpu.vector_load %arg10[%parallel_loop3A_202, %parallel_loop3A_203] {strides = array<i32>} : memref<16x512xi32, #tpu.memory_space<vmem>>, vector<16xi32>,
      tpu.vector_store %arg10[%parallel_loop3A_202, %parallel_loop3A_203], %broadcast_in_dim3A_1 {strides = array<i32>} : memref<16x512xi32, #tpu.memory_space<vmem>>, vector<16xi32>,
      %parallel_loop3A_205 = arith.constant 16 : i32
      %parallel_loop3A_206 = arith.muli %parallel_loop3A_30, %parallel_loop3A_205 : i32
      %parallel_loop3A_207 = arith.constant 14 : i32
      %parallel_loop3A_208 = arith.index_cast %parallel_loop3A_207 : i32 to index
      %parallel_loop3A_209 = arith.index_cast %parallel_loop3A_206 : i32 to index
      %parallel_loop3A_210 = tpu.vector_load %arg11[%parallel_loop3A_208, %parallel_loop3A_209] {strides = array<i32>} : memref<16x512xf32, #tpu.memory_space<vmem>>, vector<16xf32>,
      tpu.vector_store %arg11[%parallel_loop3A_208, %parallel_loop3A_209], %broadcast_in_dim3A_3 {strides = array<i32>} : memref<16x512xf32, #tpu.memory_space<vmem>>, vector<16xf32>,
      %parallel_loop3A_211 = arith.constant 16 : i32
      %parallel_loop3A_212 = arith.muli %parallel_loop3A_30, %parallel_loop3A_211 : i32
      %parallel_loop3A_213 = arith.constant 15 : i32
      %parallel_loop3A_214 = arith.index_cast %parallel_loop3A_213 : i32 to index
      %parallel_loop3A_215 = arith.index_cast %parallel_loop3A_212 : i32 to index
      %parallel_loop3A_216 = tpu.vector_load %arg10[%parallel_loop3A_214, %parallel_loop3A_215] {strides = array<i32>} : memref<16x512xi32, #tpu.memory_space<vmem>>, vector<16xi32>,
      tpu.vector_store %arg10[%parallel_loop3A_214, %parallel_loop3A_215], %broadcast_in_dim3A_1 {strides = array<i32>} : memref<16x512xi32, #tpu.memory_space<vmem>>, vector<16xi32>,
      %parallel_loop3A_217 = arith.constant 16 : i32
      %parallel_loop3A_218 = arith.muli %parallel_loop3A_30, %parallel_loop3A_217 : i32
      %parallel_loop3A_219 = arith.constant 15 : i32
      %parallel_loop3A_220 = arith.index_cast %parallel_loop3A_219 : i32 to index
      %parallel_loop3A_221 = arith.index_cast %parallel_loop3A_218 : i32 to index
      %parallel_loop3A_222 = tpu.vector_load %arg11[%parallel_loop3A_220, %parallel_loop3A_221] {strides = array<i32>} : memref<16x512xf32, #tpu.memory_space<vmem>>, vector<16xf32>,
      tpu.vector_store %arg11[%parallel_loop3A_220, %parallel_loop3A_221], %broadcast_in_dim3A_3 {strides = array<i32>} : memref<16x512xf32, #tpu.memory_space<vmem>>, vector<16xf32>,
    } {sc.loop_unroll_factor = 4 : i64, sc.parallel_access}
    %scan3A = arith.constant 0 : i32
    %scan3A_21 = arith.constant 0 : i32
    %scan3A_22 = arith.constant 8 : i32
    %scan3A_23 = arith.addi %scan3A_21, %scan3A_22 : i32
    %scan3A_24 = arith.constant 1 : i32
    scf.for %scan3A_30 = %scan3A_21 to %scan3A_23 step %scan3A_24  : i32 {
      %mul3A_31 = arith.constant 2 : i32
      %mul3A_32 = arith.muli %mul3A_31, %scan3A_30 : i32
      %mul3A_33 = arith.constant 131072 : i32
      %mul3A_34 = arith.muli %add3A, %mul3A_33 : i32
      %mul3A_35 = arith.constant 8192 : i32
      %mul3A_36 = arith.muli %mul3A_32, %mul3A_35 : i32
      %add3A_37 = arith.addi %mul3A_34, %mul3A_36 : i32
      %dma_wait3A = tpu.memref_slice %arg2[%add3A_37] : memref<4194304xf32, #tpu.memory_space<hbm>> -> memref<8192xf32, #tpu.memory_space<hbm>>
      %dma_wait3A_38 = tpu.memref_slice %arg2[%add3A_37] : memref<4194304xf32, #tpu.memory_space<hbm>> -> memref<8192xf32, #tpu.memory_space<hbm>>
      tpu.wait_dma2 semaphore(%arg12 : memref<!tpu.dma_semaphore, #tpu.memory_space<semaphore_mem>>) src(%dma_wait3A_38 : memref<8192xf32, #tpu.memory_space<hbm>>) dst(%arg6 : memref<8192xf32, #tpu.memory_space<vmem>>)
      %dma_wait3A_39 = tpu.memref_slice %arg3[%add3A_37] : memref<4194304xi32, #tpu.memory_space<hbm>> -> memref<8192xi32, #tpu.memory_space<hbm>>
      %dma_wait3A_40 = tpu.memref_slice %arg3[%add3A_37] : memref<4194304xi32, #tpu.memory_space<hbm>> -> memref<8192xi32, #tpu.memory_space<hbm>>
      tpu.wait_dma2 semaphore(%arg13 : memref<!tpu.dma_semaphore, #tpu.memory_space<semaphore_mem>>) src(%dma_wait3A_40 : memref<8192xi32, #tpu.memory_space<hbm>>) dst(%arg7 : memref<8192xi32, #tpu.memory_space<vmem>>)
      %parallel_loop3A_41 = arith.constant 0 : i32
      %parallel_loop3A_42 = arith.constant 512 : i32
      %parallel_loop3A_43 = arith.constant 1 : i32
      scf.for %parallel_loop3A_69 = %parallel_loop3A_41 to %parallel_loop3A_42 step %parallel_loop3A_43  : i32 {
        %parallel_loop3A_70 = arith.constant 16 : i32
        %parallel_loop3A_71 = arith.muli %parallel_loop3A_69, %parallel_loop3A_70 : i32
        %parallel_loop3A_72 = arith.index_cast %parallel_loop3A_71 : i32 to index
        %parallel_loop3A_73 = tpu.vector_load %arg6[%parallel_loop3A_72] {strides = array<i32>} : memref<8192xf32, #tpu.memory_space<vmem>>, vector<16xf32>,
        %parallel_loop3A_74 = arith.index_cast %parallel_loop3A_71 : i32 to index
        %parallel_loop3A_75 = tpu.vector_load %arg7[%parallel_loop3A_74] {strides = array<i32>} : memref<8192xi32, #tpu.memory_space<vmem>>, vector<16xi32>,
        %parallel_loop3A_76 = arith.sitofp %parallel_loop3A_75 : vector<16xi32> to vector<16xf32>
        %parallel_loop3A_77 = arith.constant 2.000000e+00 : f32
        %parallel_loop3A_78 = vector.broadcast %parallel_loop3A_77 : f32 to vector<16xf32>
        %parallel_loop3A_79 = arith.mulf %parallel_loop3A_78, %parallel_loop3A_76 : vector<16xf32>
        %parallel_loop3A_80 = arith.constant 1.000000e+00 : f32
        %parallel_loop3A_81 = vector.broadcast %parallel_loop3A_80 : f32 to vector<16xf32>
        %parallel_loop3A_82 = arith.subf %parallel_loop3A_79, %parallel_loop3A_81 : vector<16xf32>
        %parallel_loop3A_83 = arith.mulf %parallel_loop3A_73, %parallel_loop3A_82 : vector<16xf32>
        %parallel_loop3A_84 = arith.constant 1.000000e+00 : f32
        %parallel_loop3A_85 = vector.broadcast %parallel_loop3A_84 : f32 to vector<16xf32>
        %parallel_loop3A_86 = arith.subf %parallel_loop3A_85, %parallel_loop3A_83 : vector<16xf32>
        %parallel_loop3A_87 = arith.constant 1.100000e+01 : f32
        %parallel_loop3A_88 = vector.broadcast %parallel_loop3A_87 : f32 to vector<16xf32>
        %parallel_loop3A_89 = arith.subf %parallel_loop3A_88, %parallel_loop3A_86 : vector<16xf32>
        %parallel_loop3A_90 = arith.constant 2.560000e+01 : f32
        %parallel_loop3A_91 = vector.broadcast %parallel_loop3A_90 : f32 to vector<16xf32>
        %parallel_loop3A_92 = arith.mulf %parallel_loop3A_89, %parallel_loop3A_91 : vector<16xf32>
        %parallel_loop3A_93 = arith.constant 0.000000e+00 : f32
        %parallel_loop3A_94 = arith.constant 5.110000e+02 : f32
        %parallel_loop3A_95 = vector.broadcast %parallel_loop3A_93 : f32 to vector<16xf32>
        %parallel_loop3A_96 = arith.maximumf %parallel_loop3A_95, %parallel_loop3A_92 : vector<16xf32>
        %parallel_loop3A_97 = vector.broadcast %parallel_loop3A_94 : f32 to vector<16xf32>
        %parallel_loop3A_98 = arith.minimumf %parallel_loop3A_97, %parallel_loop3A_96 : vector<16xf32>
        %parallel_loop3A_99 = arith.fptosi %parallel_loop3A_98 : vector<16xf32> to vector<16xi32>
        %parallel_loop3A_100 = arith.constant 16 : i32
        %parallel_loop3A_101 = vector.broadcast %parallel_loop3A_100 : i32 to vector<16xi32>
        %parallel_loop3A_102 = arith.shli %parallel_loop3A_75, %parallel_loop3A_101 : vector<16xi32>
        %parallel_loop3A_103 = arith.constant 1 : i32
        %parallel_loop3A_104 = vector.broadcast %parallel_loop3A_103 : i32 to vector<16xi32>
        %parallel_loop3A_105 = arith.addi %parallel_loop3A_104, %parallel_loop3A_102 : vector<16xi32>
        tpu.vector_store_idx %arg10[%iota3A, %parallel_loop3A_99], %parallel_loop3A_105 {add = true} : memref<16x512xi32, #tpu.memory_space<vmem>>[vector<16xi32>, vector<16xi32>], vector<16xi32>,
        %parallel_loop3A_106 = arith.constant 0.000000e+00 : f32
        %parallel_loop3A_107 = vector.broadcast %parallel_loop3A_106 : f32 to vector<16xf32>
        %parallel_loop3A_108 = arith.maximumf %parallel_loop3A_86, %parallel_loop3A_107 : vector<16xf32>
        tpu.vector_store_idx %arg11[%iota3A, %parallel_loop3A_99], %parallel_loop3A_108 {add = true} : memref<16x512xf32, #tpu.memory_space<vmem>>[vector<16xi32>, vector<16xi32>], vector<16xf32>,
      } {sc.loop_unroll_factor = 8 : i64, sc.parallel_access}
      %add3A_44 = arith.constant 1 : i32
      %add3A_45 = arith.addi %scan3A_30, %add3A_44 : i32
      %lt3A = arith.constant 8 : i32
      %lt3A_46 = arith.cmpi slt, %add3A_45, %lt3A : i32
      %convert_element_type3A = arith.extui %lt3A_46 : i1 to i32
      %cond3A = arith.constant 0 : i32
      %cond3A_47 = arith.cmpi ne, %convert_element_type3A, %cond3A : i32
      scf.if %cond3A_47 {
        %add3A_69 = arith.constant 2 : i32
        %add3A_70 = arith.addi %mul3A_32, %add3A_69 : i32
        %mul3A_71 = arith.constant 131072 : i32
        %mul3A_72 = arith.muli %add3A, %mul3A_71 : i32
        %mul3A_73 = arith.constant 8192 : i32
        %mul3A_74 = arith.muli %add3A_70, %mul3A_73 : i32
        %add3A_75 = arith.addi %mul3A_72, %mul3A_74 : i32
        %dma_start3A_76 = tpu.memref_slice %arg2[%add3A_75] : memref<4194304xf32, #tpu.memory_space<hbm>> -> memref<8192xf32, #tpu.memory_space<hbm>>
        %dma_start3A_77 = tpu.memref_slice %arg2[%add3A_75] : memref<4194304xf32, #tpu.memory_space<hbm>> -> memref<8192xf32, #tpu.memory_space<hbm>>
        tpu.enqueue_dma source(%dma_start3A_77 : memref<8192xf32, #tpu.memory_space<hbm>>) target(%arg6 : memref<8192xf32, #tpu.memory_space<vmem>>) target_semaphore(%arg12 : memref<!tpu.dma_semaphore, #tpu.memory_space<semaphore_mem>>)
        %dma_start3A_78 = tpu.memref_slice %arg3[%add3A_75] : memref<4194304xi32, #tpu.memory_space<hbm>> -> memref<8192xi32, #tpu.memory_space<hbm>>
        %dma_start3A_79 = tpu.memref_slice %arg3[%add3A_75] : memref<4194304xi32, #tpu.memory_space<hbm>> -> memref<8192xi32, #tpu.memory_space<hbm>>
        tpu.enqueue_dma source(%dma_start3A_79 : memref<8192xi32, #tpu.memory_space<hbm>>) target(%arg7 : memref<8192xi32, #tpu.memory_space<vmem>>) target_semaphore(%arg13 : memref<!tpu.dma_semaphore, #tpu.memory_space<semaphore_mem>>)
      } else {
      }
      %add3A_48 = arith.constant 1 : i32
      %add3A_49 = arith.addi %mul3A_32, %add3A_48 : i32
      %mul3A_50 = arith.constant 131072 : i32
      %mul3A_51 = arith.muli %add3A, %mul3A_50 : i32
      %mul3A_52 = arith.constant 8192 : i32
      %mul3A_53 = arith.muli %add3A_49, %mul3A_52 : i32
      %add3A_54 = arith.addi %mul3A_51, %mul3A_53 : i32
      %dma_wait3A_55 = tpu.memref_slice %arg2[%add3A_54] : memref<4194304xf32, #tpu.memory_space<hbm>> -> memref<8192xf32, #tpu.memory_space<hbm>>
      %dma_wait3A_56 = tpu.memref_slice %arg2[%add3A_54] : memref<4194304xf32, #tpu.memory_space<hbm>> -> memref<8192xf32, #tpu.memory_space<hbm>>
      tpu.wait_dma2 semaphore(%arg14 : memref<!tpu.dma_semaphore, #tpu.memory_space<semaphore_mem>>) src(%dma_wait3A_56 : memref<8192xf32, #tpu.memory_space<hbm>>) dst(%arg8 : memref<8192xf32, #tpu.memory_space<vmem>>)
      %dma_wait3A_57 = tpu.memref_slice %arg3[%add3A_54] : memref<4194304xi32, #tpu.memory_space<hbm>> -> memref<8192xi32, #tpu.memory_space<hbm>>
      %dma_wait3A_58 = tpu.memref_slice %arg3[%add3A_54] : memref<4194304xi32, #tpu.memory_space<hbm>> -> memref<8192xi32, #tpu.memory_space<hbm>>
      tpu.wait_dma2 semaphore(%arg15 : memref<!tpu.dma_semaphore, #tpu.memory_space<semaphore_mem>>) src(%dma_wait3A_58 : memref<8192xi32, #tpu.memory_space<hbm>>) dst(%arg9 : memref<8192xi32, #tpu.memory_space<vmem>>)
      %parallel_loop3A_59 = arith.constant 0 : i32
      %parallel_loop3A_60 = arith.constant 512 : i32
      %parallel_loop3A_61 = arith.constant 1 : i32
      scf.for %parallel_loop3A_69 = %parallel_loop3A_59 to %parallel_loop3A_60 step %parallel_loop3A_61  : i32 {
        %parallel_loop3A_70 = arith.constant 16 : i32
        %parallel_loop3A_71 = arith.muli %parallel_loop3A_69, %parallel_loop3A_70 : i32
        %parallel_loop3A_72 = arith.index_cast %parallel_loop3A_71 : i32 to index
        %parallel_loop3A_73 = tpu.vector_load %arg8[%parallel_loop3A_72] {strides = array<i32>} : memref<8192xf32, #tpu.memory_space<vmem>>, vector<16xf32>,
        %parallel_loop3A_74 = arith.index_cast %parallel_loop3A_71 : i32 to index
        %parallel_loop3A_75 = tpu.vector_load %arg9[%parallel_loop3A_74] {strides = array<i32>} : memref<8192xi32, #tpu.memory_space<vmem>>, vector<16xi32>,
        %parallel_loop3A_76 = arith.sitofp %parallel_loop3A_75 : vector<16xi32> to vector<16xf32>
        %parallel_loop3A_77 = arith.constant 2.000000e+00 : f32
        %parallel_loop3A_78 = vector.broadcast %parallel_loop3A_77 : f32 to vector<16xf32>
        %parallel_loop3A_79 = arith.mulf %parallel_loop3A_78, %parallel_loop3A_76 : vector<16xf32>
        %parallel_loop3A_80 = arith.constant 1.000000e+00 : f32
        %parallel_loop3A_81 = vector.broadcast %parallel_loop3A_80 : f32 to vector<16xf32>
        %parallel_loop3A_82 = arith.subf %parallel_loop3A_79, %parallel_loop3A_81 : vector<16xf32>
        %parallel_loop3A_83 = arith.mulf %parallel_loop3A_73, %parallel_loop3A_82 : vector<16xf32>
        %parallel_loop3A_84 = arith.constant 1.000000e+00 : f32
        %parallel_loop3A_85 = vector.broadcast %parallel_loop3A_84 : f32 to vector<16xf32>
        %parallel_loop3A_86 = arith.subf %parallel_loop3A_85, %parallel_loop3A_83 : vector<16xf32>
        %parallel_loop3A_87 = arith.constant 1.100000e+01 : f32
        %parallel_loop3A_88 = vector.broadcast %parallel_loop3A_87 : f32 to vector<16xf32>
        %parallel_loop3A_89 = arith.subf %parallel_loop3A_88, %parallel_loop3A_86 : vector<16xf32>
        %parallel_loop3A_90 = arith.constant 2.560000e+01 : f32
        %parallel_loop3A_91 = vector.broadcast %parallel_loop3A_90 : f32 to vector<16xf32>
        %parallel_loop3A_92 = arith.mulf %parallel_loop3A_89, %parallel_loop3A_91 : vector<16xf32>
        %parallel_loop3A_93 = arith.constant 0.000000e+00 : f32
        %parallel_loop3A_94 = arith.constant 5.110000e+02 : f32
        %parallel_loop3A_95 = vector.broadcast %parallel_loop3A_93 : f32 to vector<16xf32>
        %parallel_loop3A_96 = arith.maximumf %parallel_loop3A_95, %parallel_loop3A_92 : vector<16xf32>
        %parallel_loop3A_97 = vector.broadcast %parallel_loop3A_94 : f32 to vector<16xf32>
        %parallel_loop3A_98 = arith.minimumf %parallel_loop3A_97, %parallel_loop3A_96 : vector<16xf32>
        %parallel_loop3A_99 = arith.fptosi %parallel_loop3A_98 : vector<16xf32> to vector<16xi32>
        %parallel_loop3A_100 = arith.constant 16 : i32
        %parallel_loop3A_101 = vector.broadcast %parallel_loop3A_100 : i32 to vector<16xi32>
        %parallel_loop3A_102 = arith.shli %parallel_loop3A_75, %parallel_loop3A_101 : vector<16xi32>
        %parallel_loop3A_103 = arith.constant 1 : i32
        %parallel_loop3A_104 = vector.broadcast %parallel_loop3A_103 : i32 to vector<16xi32>
        %parallel_loop3A_105 = arith.addi %parallel_loop3A_104, %parallel_loop3A_102 : vector<16xi32>
        tpu.vector_store_idx %arg10[%iota3A, %parallel_loop3A_99], %parallel_loop3A_105 {add = true} : memref<16x512xi32, #tpu.memory_space<vmem>>[vector<16xi32>, vector<16xi32>], vector<16xi32>,
        %parallel_loop3A_106 = arith.constant 0.000000e+00 : f32
        %parallel_loop3A_107 = vector.broadcast %parallel_loop3A_106 : f32 to vector<16xf32>
        %parallel_loop3A_108 = arith.maximumf %parallel_loop3A_86, %parallel_loop3A_107 : vector<16xf32>
        tpu.vector_store_idx %arg11[%iota3A, %parallel_loop3A_99], %parallel_loop3A_108 {add = true} : memref<16x512xf32, #tpu.memory_space<vmem>>[vector<16xi32>, vector<16xi32>], vector<16xf32>,
      } {sc.loop_unroll_factor = 8 : i64, sc.parallel_access}
      %add3A_62 = arith.constant 1 : i32
      %add3A_63 = arith.addi %scan3A_30, %add3A_62 : i32
      %lt3A_64 = arith.constant 8 : i32
      %lt3A_65 = arith.cmpi slt, %add3A_63, %lt3A_64 : i32
      %convert_element_type3A_66 = arith.extui %lt3A_65 : i1 to i32
      %cond3A_67 = arith.constant 0 : i32
      %cond3A_68 = arith.cmpi ne, %convert_element_type3A_66, %cond3A_67 : i32
      scf.if %cond3A_68 {
        %add3A_69 = arith.constant 3 : i32
        %add3A_70 = arith.addi %mul3A_32, %add3A_69 : i32
        %mul3A_71 = arith.constant 131072 : i32
        %mul3A_72 = arith.muli %add3A, %mul3A_71 : i32
        %mul3A_73 = arith.constant 8192 : i32
        %mul3A_74 = arith.muli %add3A_70, %mul3A_73 : i32
        %add3A_75 = arith.addi %mul3A_72, %mul3A_74 : i32
        %dma_start3A_76 = tpu.memref_slice %arg2[%add3A_75] : memref<4194304xf32, #tpu.memory_space<hbm>> -> memref<8192xf32, #tpu.memory_space<hbm>>
        %dma_start3A_77 = tpu.memref_slice %arg2[%add3A_75] : memref<4194304xf32, #tpu.memory_space<hbm>> -> memref<8192xf32, #tpu.memory_space<hbm>>
        tpu.enqueue_dma source(%dma_start3A_77 : memref<8192xf32, #tpu.memory_space<hbm>>) target(%arg8 : memref<8192xf32, #tpu.memory_space<vmem>>) target_semaphore(%arg14 : memref<!tpu.dma_semaphore, #tpu.memory_space<semaphore_mem>>)
        %dma_start3A_78 = tpu.memref_slice %arg3[%add3A_75] : memref<4194304xi32, #tpu.memory_space<hbm>> -> memref<8192xi32, #tpu.memory_space<hbm>>
        %dma_start3A_79 = tpu.memref_slice %arg3[%add3A_75] : memref<4194304xi32, #tpu.memory_space<hbm>> -> memref<8192xi32, #tpu.memory_space<hbm>>
        tpu.enqueue_dma source(%dma_start3A_79 : memref<8192xi32, #tpu.memory_space<hbm>>) target(%arg9 : memref<8192xi32, #tpu.memory_space<vmem>>) target_semaphore(%arg15 : memref<!tpu.dma_semaphore, #tpu.memory_space<semaphore_mem>>)
      } else {
      }
    }
    %scan3A_25 = arith.constant 8 : i32
    %mul3A_26 = arith.constant 16 : i32
    %mul3A_27 = arith.muli %add3A, %mul3A_26 : i32
    "tpu.region"() ({
      %run_scoped3A = tpu.sem_alloc : memref<!tpu.dma_semaphore, #tpu.memory_space<semaphore_mem>>
      %dma_start3A_30 = arith.constant 0 : i32
      %dma_start3A_31 = tpu.memref_slice %arg4[%mul3A_27, %dma_start3A_30] : memref<512x512xi32, #tpu.memory_space<hbm>> -> memref<16x512xi32, #tpu.memory_space<hbm>>
      %dma_start3A_32 = arith.constant 0 : i32
      %dma_start3A_33 = tpu.memref_slice %arg4[%mul3A_27, %dma_start3A_32] : memref<512x512xi32, #tpu.memory_space<hbm>> -> memref<16x512xi32, #tpu.memory_space<hbm>>
      tpu.enqueue_dma source(%arg10 : memref<16x512xi32, #tpu.memory_space<vmem>>) target(%dma_start3A_33 : memref<16x512xi32, #tpu.memory_space<hbm>>) target_semaphore(%run_scoped3A : memref<!tpu.dma_semaphore, #tpu.memory_space<semaphore_mem>>)
      %dma_wait3A = arith.constant 0 : i32
      %dma_wait3A_34 = tpu.memref_slice %arg4[%mul3A_27, %dma_wait3A] : memref<512x512xi32, #tpu.memory_space<hbm>> -> memref<16x512xi32, #tpu.memory_space<hbm>>
      %dma_wait3A_35 = arith.constant 0 : i32
      %dma_wait3A_36 = tpu.memref_slice %arg4[%mul3A_27, %dma_wait3A_35] : memref<512x512xi32, #tpu.memory_space<hbm>> -> memref<16x512xi32, #tpu.memory_space<hbm>>
      tpu.wait_dma2 semaphore(%run_scoped3A : memref<!tpu.dma_semaphore, #tpu.memory_space<semaphore_mem>>) src(%arg10 : memref<16x512xi32, #tpu.memory_space<vmem>>) dst(%dma_wait3A_36 : memref<16x512xi32, #tpu.memory_space<hbm>>)
      tpu.yield
    }) : () -> ()
    %mul3A_28 = arith.constant 16 : i32
    %mul3A_29 = arith.muli %add3A, %mul3A_28 : i32
    "tpu.region"() ({
      %run_scoped3A = tpu.sem_alloc : memref<!tpu.dma_semaphore, #tpu.memory_space<semaphore_mem>>
      %dma_start3A_30 = arith.constant 0 : i32
      %dma_start3A_31 = tpu.memref_slice %arg5[%mul3A_29, %dma_start3A_30] : memref<512x512xf32, #tpu.memory_space<hbm>> -> memref<16x512xf32, #tpu.memory_space<hbm>>
      %dma_start3A_32 = arith.constant 0 : i32
      %dma_start3A_33 = tpu.memref_slice %arg5[%mul3A_29, %dma_start3A_32] : memref<512x512xf32, #tpu.memory_space<hbm>> -> memref<16x512xf32, #tpu.memory_space<hbm>>
      tpu.enqueue_dma source(%arg11 : memref<16x512xf32, #tpu.memory_space<vmem>>) target(%dma_start3A_33 : memref<16x512xf32, #tpu.memory_space<hbm>>) target_semaphore(%run_scoped3A : memref<!tpu.dma_semaphore, #tpu.memory_space<semaphore_mem>>)
      %dma_wait3A = arith.constant 0 : i32
      %dma_wait3A_34 = tpu.memref_slice %arg5[%mul3A_29, %dma_wait3A] : memref<512x512xf32, #tpu.memory_space<hbm>> -> memref<16x512xf32, #tpu.memory_space<hbm>>
      %dma_wait3A_35 = arith.constant 0 : i32
      %dma_wait3A_36 = tpu.memref_slice %arg5[%mul3A_29, %dma_wait3A_35] : memref<512x512xf32, #tpu.memory_space<hbm>> -> memref<16x512xf32, #tpu.memory_space<hbm>>
      tpu.wait_dma2 semaphore(%run_scoped3A : memref<!tpu.dma_semaphore, #tpu.memory_space<semaphore_mem>>) src(%arg11 : memref<16x512xf32, #tpu.memory_space<vmem>>) dst(%dma_wait3A_36 : memref<16x512xf32, #tpu.memory_space<hbm>>)
      tpu.yield
    }) : () -> ()
    return
  }
}

module attributes {stable_mosaic.version = 14 : i64} {
  func.func @_tc_finish_body(%arg0: memref<512x512xi32, #tpu.memory_space<vmem>>, %arg1: memref<512x512xf32, #tpu.memory_space<vmem>>, %arg2: memref<1x1xf32, #tpu.memory_space<vmem>>) attributes {dimension_semantics = [], scalar_prefetch = 0 : i64, scratch_operands = 0 : i64, tpu.core_type = #tpu.core_type<tc>} {
    %get3A = arith.constant 0 : index
    %get3A_0 = arith.constant 0 : index
    %get3A_1 = vector.load %arg0[%get3A, %get3A_0] : memref<512x512xi32, #tpu.memory_space<vmem>>, vector<512x512xi32>
    %and3A = arith.constant 65535 : i32
    %and3A_2 = vector.broadcast %and3A : i32 to vector<512x512xi32>
    %and3A_3 = arith.andi %get3A_1, %and3A_2 : vector<512x512xi32>
    %reduce_sum3A = arith.constant dense<0> : vector<512xi32>
    %reduce_sum3A_4 = vector.multi_reduction <add>, %and3A_3, %reduce_sum3A [0] : vector<512x512xi32> to vector<512xi32>
    %broadcast_in_dim3A = vector.shape_cast %reduce_sum3A_4 : vector<512xi32> to vector<1x512xi32>
    %convert_element_type3A = arith.sitofp %broadcast_in_dim3A : vector<1x512xi32> to vector<1x512xf32>
    %shift_right_arithmetic3A = arith.constant 16 : i32
    %shift_right_arithmetic3A_5 = vector.broadcast %shift_right_arithmetic3A : i32 to vector<512x512xi32>
    %shift_right_arithmetic3A_6 = arith.shrsi %get3A_1, %shift_right_arithmetic3A_5 : vector<512x512xi32>
    %reduce_sum3A_7 = arith.constant dense<0> : vector<512xi32>
    %reduce_sum3A_8 = vector.multi_reduction <add>, %shift_right_arithmetic3A_6, %reduce_sum3A_7 [0] : vector<512x512xi32> to vector<512xi32>
    %broadcast_in_dim3A_9 = vector.shape_cast %reduce_sum3A_8 : vector<512xi32> to vector<1x512xi32>
    %convert_element_type3A_10 = arith.sitofp %broadcast_in_dim3A_9 : vector<1x512xi32> to vector<1x512xf32>
    %get3A_11 = arith.constant 0 : index
    %get3A_12 = arith.constant 0 : index
    %get3A_13 = vector.load %arg1[%get3A_11, %get3A_12] : memref<512x512xf32, #tpu.memory_space<vmem>>, vector<512x512xf32>
    %reduce_sum3A_14 = arith.constant dense<0.000000e+00> : vector<512xf32>
    %reduce_sum3A_15 = vector.multi_reduction <add>, %get3A_13, %reduce_sum3A_14 [0] : vector<512x512xf32> to vector<512xf32>
    %broadcast_in_dim3A_16 = vector.shape_cast %reduce_sum3A_15 : vector<512xf32> to vector<1x512xf32>
    %reduce_sum3A_17 = vector.shape_cast %convert_element_type3A_10 : vector<1x512xf32> to vector<1x1x512xf32>
    %reduce_sum3A_18 = arith.constant dense<0.000000e+00> : vector<1xf32>
    %reduce_sum3A_19 = vector.multi_reduction <add>, %reduce_sum3A_17, %reduce_sum3A_18 [1, 2] : vector<1x1x512xf32> to vector<1xf32>
    %reduce_sum3A_20 = vector.shape_cast %reduce_sum3A_19 : vector<1xf32> to vector<1x1x1xf32>
    %reduce_sum3A_21 = vector.extract %reduce_sum3A_20[0, 0, 0] : f32 from vector<1x1x1xf32>
    %iota3A = tpu.iota {dimensions = array<i32: 0>} : vector<512x512xi32>
    %iota3A_22 = tpu.iota {dimensions = array<i32: 1>} : vector<512x512xi32>
    %lt3A = arith.cmpi slt, %iota3A, %iota3A_22 : vector<512x512xi32>
    %convert_element_type3A_23 = arith.extui %lt3A : vector<512x512xi1> to vector<512x512xi32>
    %convert_element_type3A_24 = arith.sitofp %convert_element_type3A_23 : vector<512x512xi32> to vector<512x512xf32>
    %dot_general3A = arith.constant dense<0.000000e+00> : vector<1x512xf32>
    %dot_general3A_25 = tpu.matmul %convert_element_type3A, %convert_element_type3A_24, %dot_general3A {dimension_numbers = #tpu.dot_dimension_numbers<[1], [0], [0], [1], [0, 0, 1, 1], [], []>, precision = #tpu.contract_precision<fp32>, transpose_lhs_hint = false} : vector<1x512xf32>, vector<512x512xf32>, vector<1x512xf32> -> vector<1x512xf32>
    %dot_general3A_26 = arith.constant dense<0.000000e+00> : vector<1x512xf32>
    %dot_general3A_27 = tpu.matmul %convert_element_type3A_10, %convert_element_type3A_24, %dot_general3A_26 {dimension_numbers = #tpu.dot_dimension_numbers<[1], [0], [0], [1], [0, 0, 1, 1], [], []>, precision = #tpu.contract_precision<fp32>, transpose_lhs_hint = false} : vector<1x512xf32>, vector<512x512xf32>, vector<1x512xf32> -> vector<1x512xf32>
    %sub3A = arith.constant 0x4A800000 : f32
    %sub3A_28 = vector.broadcast %sub3A : f32 to vector<1x512xf32>
    %sub3A_29 = arith.subf %sub3A_28, %dot_general3A_25 : vector<1x512xf32>
    %sub3A_30 = arith.constant 1.000000e+00 : f32
    %sub3A_31 = vector.broadcast %sub3A_30 : f32 to vector<1x512xf32>
    %sub3A_32 = arith.subf %convert_element_type3A, %sub3A_31 : vector<1x512xf32>
    %mul3A = arith.constant 5.000000e-01 : f32
    %mul3A_33 = vector.broadcast %mul3A : f32 to vector<1x512xf32>
    %mul3A_34 = arith.mulf %sub3A_32, %mul3A_33 : vector<1x512xf32>
    %sub3A_35 = arith.subf %sub3A_29, %mul3A_34 : vector<1x512xf32>
    %sub3A_36 = vector.broadcast %reduce_sum3A_21 : f32 to vector<1x512xf32>
    %sub3A_37 = arith.subf %sub3A_36, %dot_general3A_27 : vector<1x512xf32>
    %mul3A_38 = arith.constant 5.000000e-01 : f32
    %mul3A_39 = vector.broadcast %mul3A_38 : f32 to vector<1x512xf32>
    %mul3A_40 = arith.mulf %convert_element_type3A_10, %mul3A_39 : vector<1x512xf32>
    %sub3A_41 = arith.subf %sub3A_37, %mul3A_40 : vector<1x512xf32>
    %mul3A_42 = arith.mulf %broadcast_in_dim3A_16, %sub3A_41 : vector<1x512xf32>
    %div3A = arith.divf %mul3A_42, %sub3A_35 : vector<1x512xf32>
    %reduce_sum3A_43 = vector.shape_cast %div3A : vector<1x512xf32> to vector<1x1x512xf32>
    %reduce_sum3A_44 = arith.constant dense<0.000000e+00> : vector<1xf32>
    %reduce_sum3A_45 = vector.multi_reduction <add>, %reduce_sum3A_43, %reduce_sum3A_44 [1, 2] : vector<1x1x512xf32> to vector<1xf32>
    %reduce_sum3A_46 = vector.shape_cast %reduce_sum3A_45 : vector<1xf32> to vector<1x1x1xf32>
    %reduce_sum3A_47 = vector.extract %reduce_sum3A_46[0, 0, 0] : f32 from vector<1x1x1xf32>
    %reshape3A = vector.broadcast %reduce_sum3A_47 : f32 to vector<1x1xf32>
    %swap3A = arith.constant 0 : index
    %swap3A_48 = arith.constant 0 : index
    %swap3A_49 = vector.load %arg2[%swap3A, %swap3A_48] : memref<1x1xf32, #tpu.memory_space<vmem>>, vector<1x1xf32>
    tpu.vector_store %arg2[%swap3A, %swap3A_48], %reshape3A {strides = array<i32>} : memref<1x1xf32, #tpu.memory_space<vmem>>, vector<1x1xf32>,
    return
  }
}

</mosaic_0001>

<sc_bundles>
// kernel: kernel.4.cloned.1.call-start
scs
__scs_entry_jumppad:
0x0: {  	(pc) =	sbr.rel $0x88, $3  }
0x1: {  	(tag) =	ssettag $0x0;
	lr =	simm.s32 $0x1  }
0x2: {  	[smem:$0x3F9F] =	sst lr;
	_ =	strace $0xD0000000  }
0x3: {  	_ = 	snop  }
0x4: {  	_ = 	snop  }
0x5: {  	_ = 	snop  }
0x6: {  	_ = 	snop  }
0x7: {  	_ = 	snop  }
__scs_overlays_trampoline_lowered:
0x8: {  	[smem:$0x3FAE] =	sst s0  }
0x9: {  	[smem:$0x3FAF] =	sst s1  }
0xa: {  	[smem:$0x3FB0] =	sst s2  }
0xb: {  	[smem:$0x3FB1] =	sst s3  }
0xc: {  	[smem:$0x3FB2] =	sst s4  }
0xd: {  	[smem:$0x3FB3] =	sst s5  }
0xe: {  	[smem:$0x3FB4] =	sst s6  }
0xf: {  	[smem:$0x3FB5] =	sst s7  }
0x10: {  	[smem:$0x3FB6] =	sst s8  }
0x11: {  	[smem:$0x3FB7] =	sst s9;
	s0 =	simm.s32 @!p0 $0x0  }
0x12: {  	s1 =	sld [smem:$0x3F9D];
	s0 =	simm.s32 @p0 $0x1  }
0x13: {  	[smem:$0x3FB8] =	sst s0;
	s0 =	simm.s32 @!p1 $0x0  }
0x14: {  	s2 =	sld [smem:$0x3F9C];
	s0 =	simm.s32 @p1 $0x1  }
0x15: {  	[smem:$0x3FB9] =	sst s0;
	s0 =	simm.s32 @!p2 $0x0  }
0x16: {  	s3 =	sld [smem:$0x3FDB];
	s0 =	simm.s32 @p2 $0x1  }
0x17: {  	s4 =	simm.s32 $0x1BF5;
	[smem:$0x3FBB] =	sst s0  }
0x18: {  	s0 =	sld [smem:$0x3F9E];
	_ =	swait.ge [sflag:s4], $0x0  }
0x19: {  	s7 =	sld [smem:$0x3F9F]  }
0x1a: {  	s8 =	sadd.s32 $0xFFFFE003, lr  }
0x1b: {  	s9 =	sadd.s32 $0xFFFFFEF7, lr;
	s5 =	simm.s32 $0xFFFFFFFF;
	p2 =	slt.u32 s8, $0xFFFFF086  }
0x1c: {  	p1 =	slt.u32 s9, $0xF7A;
	s5 =	simm.s32 @!p2 $0x0  }
0x1d: {  	s5 =	simm.s32 @p1 $0x1;
	p0 =	seq.s32 s7, s2  }
0x1e: {  	s7 =	smul.u32 @!p0 $0xF7A, s2;
	p2 =	seq.s32 @!p0 s5, $0x0  }
0x1f: {  	s9 =	smul.u32 $0xF7A, s1;
	s8 =	simm.s32 @!p0 $0x1BF5;
	p2 =	por !p2, p0  }
0x20: {  	[sflag:s8] =	ssyncset.s32 @!p0 $0xFFFFF086;
	s6 =	sadd.s32 @!p0 s3, s7;
	s7 =	simm.s32 @!p0 $0x108  }
0x21: {  	s3 =	sadd.s32 s3, s9;
	s6 =	sadd.s32 @!p0 $0x88, s6;
	s7 =	simm.s32 @p2 $0x1082  }
0x22: {  	[simem:s7], [sflag:s8] =	dma.local @!p0 [hbm:s6], $0xF7A  }
0x23: {  	s9 =	sor.u32 $0xD0000000, s2;
	s6 =	simm.s32 $0x108;
	_ =	swait.ge @!p0 [sflag:s8], $0x0  }
0x24: {  	s3 =	sadd.s32 $0x88, s3;
	s6 =	simm.s32 @!p1 $0x1082;
	[sflag:s4] =	ssyncset.s32 $0xFFFFF086  }
0x25: {  	[simem:s6], [sflag:s4] =	dma.local [hbm:s3], $0xF7A  }
0x26: {  	[smem:$0x3F9F] =	sst s1;
	(tag) =	ssettag s2;
	_ =	strace s9  }
0x27: {  	s1 =	sld [smem:$0x3FAF]  }
0x28: {  	s2 =	sld [smem:$0x3FB0]  }
0x29: {  	s4 =	sld [smem:$0x3FB2]  }
0x2a: {  	p0 =	seq.s32 s5, $0x0;
	s5 =	sld [smem:$0x3FB3]  }
0x2b: {  	s6 =	sld [smem:$0x3FB4]  }
0x2c: {  	s7 =	sld [smem:$0x3FB5]  }
0x2d: {  	s3 =	simm.s32 $0x108;
	s8 =	sld [smem:$0x3FB6]  }
0x2e: {  	s3 =	simm.s32 @!p0 $0x1082;
	s9 =	sld [smem:$0x3FB7]  }
0x2f: {  	lr =	sadd.s32 s0, s3;
	s0 =	sld [smem:$0x3FAE]  }
0x30: {  	s3 =	sld [smem:$0x3FB1]  }
0x31: {  	[smem:$0x3FBA] =	sst s10  }
0x32: {  	s10 =	sld [smem:$0x3FB8];
	_ =	sdelay $0x3  }
0x33: {  	p0 =	seq.s32 s10, $0x1;
	s10 =	sld [smem:$0x3FBA];
	_ =	sdelay $0x3  }
0x34: {  	[smem:$0x3FBA] =	sst s10  }
0x35: {  	s10 =	sld [smem:$0x3FB9];
	_ =	sdelay $0x3  }
0x36: {  	p1 =	seq.s32 s10, $0x1;
	s10 =	sld [smem:$0x3FBA];
	_ =	sdelay $0x3  }
0x37: {  	[smem:$0x3FBA] =	sst s10  }
0x38: {  	s10 =	sld [smem:$0x3FBB]  }
0x39: {  	_ = 	snop;
	(pc) =	sbr.ind lr, $3  }
0x3a: {  	_ = 	snop  }
0x3b: {  	_ = 	snop  }
0x3c: {  	p2 =	seq.s32 s10, $0x1;
	s10 =	sld [smem:$0x3FBA]  }
0x3d: {  	_ =	shalt  }
0x3e: {  	_ =	shalt  }
0x3f: {  	_ =	shalt  }
0x40: {  	_ =	shalt  }
0x41: {  	_ =	shalt  }
0x42: {  	_ =	shalt  }
0x43: {  	_ =	shalt  }
0x44: {  	_ =	shalt  }
0x45: {  	_ =	shalt  }
0x46: {  	_ =	shalt  }
0x47: {  	_ =	shalt  }
0x48: {  	_ =	shalt  }
0x49: {  	_ =	shalt  }
0x4a: {  	_ =	shalt  }
0x4b: {  	_ =	shalt  }
0x4c: {  	_ =	shalt  }
0x4d: {  	_ =	shalt  }
0x4e: {  	_ =	shalt  }
0x4f: {  	_ =	shalt  }
0x50: {  	_ =	shalt  }
0x51: {  	_ =	shalt  }
0x52: {  	_ =	shalt  }
0x53: {  	_ =	shalt  }
0x54: {  	_ =	shalt  }
0x55: {  	_ =	shalt  }
0x56: {  	_ =	shalt  }
0x57: {  	_ =	shalt  }
0x58: {  	_ =	shalt  }
0x59: {  	_ =	shalt  }
0x5a: {  	_ =	shalt  }
0x5b: {  	_ =	shalt  }
0x5c: {  	_ =	shalt  }
0x5d: {  	_ =	shalt  }
0x5e: {  	_ =	shalt  }
0x5f: {  	_ =	shalt  }
0x60: {  	_ =	shalt  }
0x61: {  	_ =	shalt  }
0x62: {  	_ =	shalt  }
0x63: {  	_ =	shalt  }
0x64: {  	_ =	shalt  }
0x65: {  	_ =	shalt  }
0x66: {  	_ =	shalt  }
0x67: {  	_ =	shalt  }
0x68: {  	_ =	shalt  }
0x69: {  	_ =	shalt  }
0x6a: {  	_ =	shalt  }
0x6b: {  	_ =	shalt  }
0x6c: {  	_ =	shalt  }
0x6d: {  	_ =	shalt  }
0x6e: {  	_ =	shalt  }
0x6f: {  	_ =	shalt  }
0x70: {  	_ =	shalt  }
0x71: {  	_ =	shalt  }
0x72: {  	_ =	shalt  }
0x73: {  	_ =	shalt  }
0x74: {  	_ =	shalt  }
0x75: {  	_ =	shalt  }
0x76: {  	_ =	shalt  }
0x77: {  	_ =	shalt  }
0x78: {  	_ =	shalt  }
0x79: {  	_ =	shalt  }
0x7a: {  	_ =	shalt  }
0x7b: {  	_ =	shalt  }
0x7c: {  	_ =	shalt  }
0x7d: {  	_ =	shalt  }
0x7e: {  	_ =	shalt  }
0x7f: {  	_ =	shalt  }
0x80: {  	_ =	shalt  }
0x81: {  	_ =	shalt  }
0x82: {  	_ =	shalt  }
0x83: {  	_ =	shalt  }
0x84: {  	_ =	shalt  }
0x85: {  	_ =	shalt  }
0x86: {  	_ =	shalt  }
0x87: {  	_ =	shalt  }
.Lfunc_end0:
.L_simem_size_0:
called_computation_lowered:
.L_overlay_start_0:
0x88: {  	s2 =	sld [smem:$0x3FD9]  }
0x89: {  	s3 =	sld [smem:$0x3FFE];
	_ =	sdelay $0x1  }
0x8a: {  	s1 =	srdreg.scid  }
0x8b: {  	s0 =	sand.u32 $0x1, s1  }
0x8c: {  	s17 =	sshll.u32 s0, $0xA;
	s2 =	sadd.s32 s3, s2  }
0x8d: {  	s2 =	sadd.s32 s2, s17  }
0x8e: {  	[smem:$0x3FC6] =	sst s2  }
0x8f: {  	_ = 	snop  }
0x90: {  	s2 =	sld [smem:$0x3FC9]  }
0x91: {  	s18 =	sld [smem:$0x3FC8];
	(tm) =	ssettm $0x1  }
0x92: {  	s4 =	sld [smem:$0x3FFB];
	_ =	sdelay $0x3  }
0x93: {  	_ =	strace s4  }
0x94: {  	s4 =	sld [smem:$0x3FFC];
	_ =	sdelay $0x3  }
0x95: {  	_ =	strace s4  }
0x96: {  	s4 =	sld [smem:$0x3FFD];
	_ =	sdelay $0x3  }
0x97: {  	_ =	strace s4  }
0x98: {  	_ =	strace $0x8FFFFFFF  }
0x99: {  	s19 =	sld [smem:$0x3FDB];
	_ =	sdelay $0x1  }
0x9a: {  	s5 =	simm.s32 $_scs_section_size  }
0x9b: {  	s6 =	simm.s32 $_size__tile_overlayer_lowered;
	s7 =	simm.s32 $_tile_overlayer_lowered  }
0x9c: {  	s22 =	simm.s32 $0x1BFF;
	s21 =	sshll.u32 s7, $0x1;
	s4 =	sadd.s32 s5, s19  }
0x9d: {  	s8 =	simm.s32 $0x0;
	s20 =	sshll.u32 s6, $0x1;
	s6 =	sadd.s32 s21, s4  }
0x9e: {  	[timem:s8], [sflag:s22] =	dma.local [hbm:s6], s20  }
0x9f: {  	_ =	swait.ge [sflag:s22], s20  }
0xa0: {  	s5 =	ssub.s32 $0x0, s20;
	[sflag:s22] =	ssyncset.done $0x0  }
0xa1: {  	[sflag:s22] =	ssyncadd.s32 s5;
	_ =	sdelay $0x1  }
0xa2: {  	s23 =	simm.s32 $0x1B8B  }
0xa3: {  	_ =	swait.ge [sflag:s23], $0x1  }
0xa4: {  	[sflag:s23] =	ssyncset.done $0x0  }
0xa5: {  	s25 =	simm.s32 $0x1B8E;
	s24 =	sld [smem:$0x3FFE];
	[sflag:s23] =	ssyncadd.s32 $0xFFFFFFFF  }
0xa6: {  	s26 =	simm.s32 $execute0_lowered;
	[smem:$0x3FD2] =	sst s25  }
0xa7: {  	s6 =	sshll.u32 s26, $0x1;
	_ =	strace $0x80000046;
	[dreg:$0x1] =	wrdreg $0xFFFFFFFF  }
0xa8: {  	s28 =	simm.s32 $_size_execute0_lowered;
	s4 =	sadd.s32 s4, s6;
	[dreg:$0x0] =	wrdreg $0x0  }
0xa9: {  	s6 =	sshll.u32 s28, $0x1;
	[dreg:$0x2] =	wrdreg s4  }
0xaa: {  	[dreg:$0x3] =	wrdreg s6  }
0xab: {  	[dreg:$0x4] =	wrdreg $0xC0  }
0xac: {  	_ =	task [dreg:s8], $0x5FFFF  }
0xad: {  	[dreg:$0x1] =	wrdreg $0xFFFFFFFF  }
0xae: {  	[dreg:$0x0] =	wrdreg $0x60  }
0xaf: {  	[dreg:$0x2] =	wrdreg s2  }
0xb0: {  	[dreg:$0x3] =	wrdreg s18  }
0xb1: {  	[dreg:$0x4] =	wrdreg s24  }
0xb2: {  	[dreg:$0x5] =	wrdreg $0x9  }
0xb3: {  	_ =	task.clear_ibuf [dreg:s8], $0x6FFFF;
	_ =	strace $0x90000046  }
0xb4: {  	s29 =	simm.s32 $0x9;
	_ =	strace $0x80000048  }
0xb5: {  	_ =	swait.ge [sflag:s29], $0x1  }
0xb6: {  	[sflag:s29] =	ssyncadd.s32 $0xFFFFFFFF  }
0xb7: {  	_ =	strace $0x90000048  }
0xb8: {  	_ =	sfence  }
0xb9: {  	s30 =	sld [smem:$0x0];
	_ =	sdelay $0x2  }
0xba: {  	s31 =	sshll.u32 s1, $0xD;
	s1 =	sshrl.u32 s1, $0x2  }
0xbb: {  	s3 =	sand.u32 $0x4000, s31;
	s1 =	sadd.s32 s1, s30  }
0xbc: {  	s0 =	sor.u32 s3, s0;
	s1 =	sshll.u32 s1, $0x11  }
0xbd: {  	s0 =	sor.u32 s1, s0  }
0xbe: {  	s0 =	sadd.s32 $0x8F2B, s0  }
0xbf: {  	[sflag:s0] =	ssyncadd.remote.s32 $0x1  }
0xc0: {  	_ =	sfence.sel $0xFFFF  }
0xc1: {  	[dreg:$0x0] =	wrdreg $0xFFFFFFFF;
	(pc) =	sbr.abs _section_cstart, $3  }
0xc2: {  	[dreg:$0x1] =	wrdreg $0xFFFFFFFF  }
0xc3: {  	_ =	task.clear_ibuf [dreg:s8], $0x2FFFF;
	_ =	strace $0x9FFFFFFF  }
0xc4: {  	(tm) =	ssettm $0x7FFFFFFF  }
0xc5: {  	_ =	shalt  }
tec
execute0_lowered:
.L_overlay_start_1:
0x0: {  	(tag) =	ssettag $0x1  }
0x1: {  	v0 =	vimm.s32 $0x1380;
	vm0 =	vcmask $0x300  }
0x2: {  	s0 =	rddreg [dreg:$0x0];
	vm14 =	vcmask $0x704;
	v0 =	vsel vm0, $0x0, v0  }
0x3: {  	s2 =	rddreg [dreg:$0x1];
	vm15 =	vcmask $0xB08;
	s1 =	srdreg.scid;
	v0 =	vsel vm14, $0x80, v0  }
0x4: {  	s4 =	stileid.u32;
	vm4 =	vcmask $0xF0C;
	s3 =	rddreg [dreg:$0x2];
	s17 =	simm.s32 $0x1;
	v0 =	vsel vm15, $0x100, v0  }
0x5: {  	vm5 =	vcmask $0x1310;
	s18 =	simm.s32 $0x2;
	s19 =	simm.s32 $0x8000;
	s20 =	simm.s32 $0xA000;
	v0 =	vsel vm4, $0x180, v0  }
0x6: {  	vm6 =	vcmask $0x1714;
	s21 =	simm.s32 $0x3;
	s22 =	simm.s32 $0x4;
	s23 =	simm.s32 $0x5;
	v0 =	vsel vm5, $0x200, v0  }
0x7: {  	vm7 =	vcmask $0x1B18;
	s1 =	sand.u32 $0x1, s1;
	s5 =	sshll.u32 s4, $0x1;
	s4 =	simm.s32 $0x0;
	v0 =	vsel vm6, $0x280, v0  }
0x8: {  	vm8 =	vcmask $0x1F1C;
	s24 =	simm.s32 $0x0;
	s5 =	sor.u32 s1, s5;
	[smem:$0x7FF] =	sst s4;
	v0 =	vsel vm7, $0x300, v0  }
0x9: {  	vm9 =	vcmask $0x2320;
	s6 =	sshll.u32 s5, $0xA;
	s28 =	sshll.u32 s5, $0x11;
	s5 =	sshll.u32 s5, $0xE;
	v0 =	vsel vm8, $0x380, v0  }
0xa: {  	vm10 =	vcmask $0x2724;
	s1 =	ssub.s32 $0x2, s1;
	_ =	strace $0x80000047;
	s7 =	sadd.s32 s0, s5;
	v0 =	vsel vm9, $0x1000, v0  }
0xb: {  	vm11 =	vcmask $0x2B28;
	s29 =	sadd.s32 s2, s5;
	s5 =	sor.u32 $0x400, s5;
	[dreg:$0x4] =	wrdreg s7;
	v0 =	vsel vm10, $0x1080, v0  }
0xc: {  	vm12 =	vcmask $0x2F2C;
	s26 =	sshrl.u32 s1, $0x1;
	[dreg:$0x5] =	wrdreg s29;
	s30 =	sadd.s32 s0, s5;
	v0 =	vsel vm11, $0x1100, v0  }
0xd: {  	vm13 =	vcmask $0x3330;
	s3 =	sadd.s32 s6, s3;
	s5 =	sadd.s32 s2, s5;
	[dreg:$0x6] =	wrdreg s30;
	v0 =	vsel vm12, $0x1180, v0  }
0xe: {  	vm14 =	vcmask $0x3734;
	s1 =	ssub.s32 s1, s26;
	s31 =	sadd.s32 $0xC00, s3;
	[dreg:$0x7] =	wrdreg s5;
	v0 =	vsel vm13, $0x1200, v0  }
0xf: {  	vm15 =	vcmask $0x3B38;
	s9 =	sor.u32 $0x4000, s28;
	s3 =	sadd.s32 $0x8C00, s3;
	[dreg:$0x8] =	wrdreg s31;
	v2 =	vsel vm14, $0x1280, v0  }
0x10: {  	v1 =	vimm.f32 $0.0e+00;
	s10 =	sor.u32 $0x6000, s28;
	s13 =	smax.u32 s1, $0x1;
	[dreg:$0x9] =	wrdreg s3;
	v0 =	vimm.s32 $0x0;
	v2 =	vsel vm15, $0x1300, v2  }
.LBB2_1:
0x11: {  	s1 =	rddreg [dreg:$0x4]  }
0x12: {  	s25 =	rddreg [dreg:$0x5]  }
0x13: {  	[tilespmem:s4], [sflag:$0x1] =	stream.linear.gather [hbm4b:s1+s4], $0x2000, $0x38;
	[tilespmem:$0xC000] =	vst v63  }
0x14: {  	s3 =	simm.s32 $0x2000;
	s26 =	rddreg [dreg:$0x6]  }
0x15: {  	[tilespmem:s3], [sflag:$0x2] =	stream.linear.gather [hbm4b:s25+s4], $0x2000, $0x38;
	[tilespmem:$0xC000] =	vst v63  }
0x16: {  	s31 =	simm.s32 $0x4000;
	s7 =	sand.u32 $0x40, s4;
	s8 =	sand.u32 $0xC00, s4  }
0x17: {  	[tilespmem:s31], [sflag:$0x3] =	stream.linear.gather [hbm4b:s26+s4], $0x2000, $0x38;
	[tilespmem:$0xC000] =	vst v63  }
0x18: {  	s5 =	rddreg [dreg:$0x7];
	s6 =	simm.s32 $0x6000;
	s3 =	sor.u32 s7, s8  }
0x19: {  	[tilespmem:s6], [sflag:$0x4] =	stream.linear.gather [hbm4b:s5+s4], $0x2000, $0x38;
	[tilespmem:$0xC000] =	vst v63  }
0x1a: {  	[tilespmem:s3+$0x8090] =	vst v0  }
0x1b: {  	[tilespmem:s3+$0xA020] =	vst v1  }
0x1c: {  	[tilespmem:s3+$0xA090] =	vst v1  }
0x1d: {  	[tilespmem:s3+$0xA190] =	vst v1  }
0x1e: {  	[tilespmem:s3+$0xA110] =	vst v1  }
0x1f: {  	[tilespmem:s3+$0xA0A0] =	vst v1  }
0x20: {  	[tilespmem:s3+$0xA120] =	vst v1  }
0x21: {  	[tilespmem:s3+$0xA1B0] =	vst v1  }
0x22: {  	[tilespmem:s3+$0xA010] =	vst v1  }
0x23: {  	[tilespmem:s3+$0x81A0] =	vst v0  }
0x24: {  	[tilespmem:s3+$0x81B0] =	vst v0  }
0x25: {  	[tilespmem:s3+$0xA130] =	vst v1  }
0x26: {  	[tilespmem:s3+$0x8130] =	vst v0  }
0x27: {  	[tilespmem:s3+$0xA0B0] =	vst v1  }
0x28: {  	[tilespmem:s3+$0x80B0] =	vst v0  }
0x29: {  	[tilespmem:s3+$0xA100] =	vst v1  }
0x2a: {  	[tilespmem:s3+$0xA030] =	vst v1  }
0x2b: {  	[tilespmem:s3+$0x8080] =	vst v0  }
0x2c: {  	[tilespmem:s3+$0x8100] =	vst v0  }
0x2d: {  	[tilespmem:s3+$0x8030] =	vst v0  }
0x2e: {  	[tilespmem:s3+$0xA000] =	vst v1  }
0x2f: {  	[tilespmem:s3+$0xA080] =	vst v1  }
0x30: {  	[tilespmem:s3+$0x8000] =	vst v0  }
0x31: {  	[tilespmem:s3+$0x8190] =	vst v0  }
0x32: {  	p0 =	por $0x0, $0x0;
	s1 =	simm.s32 $0x1;
	[tilespmem:s3+$0x8110] =	vst v0  }
0x33: {  	s1 =	simm.s32 @!p0 $0x0;
	[tilespmem:s3+$0x8010] =	vst v0  }
0x34: {  	s1 =	sshll.u32 s1, $0x6;
	[tilespmem:s3+$0xA1A0] =	vst v1  }
0x35: {  	s1 =	sadd.s32 $0x0, s1;
	[tilespmem:s3+$0x80A0] =	vst v0  }
0x36: {  	s14 =	sadd.s32 $0x30, s1;
	[tilespmem:s3+$0x8020] =	vst v0  }
0x37: {  	s5 =	sor.u32 $0x200, s14;
	s6 =	sand.u32 $0xFFFFFC00, s4;
	[tilespmem:s3+$0x8120] =	vst v0  }
0x38: {  	s7 =	sadd.s32 $0x0, s6;
	[tilespmem:s5+$0xA000] =	vst v1  }
0x39: {  	s6 =	sor.u32 $0x180, s7;
	[tilespmem:s5+$0x8000] =	vst v0  }
0x3a: {  	[tilespmem:s6+$0x8000] =	vst v0  }
0x3b: {  	s8 =	sor.u32 $0x200, s1;
	[tilespmem:s6+$0xA000] =	vst v1  }
0x3c: {  	[tilespmem:s8+$0x8000] =	vst v0  }
0x3d: {  	s15 =	sor.u32 $0x280, s1;
	s6 =	sadd.s32 $0x10, s1;
	[tilespmem:s8+$0xA000] =	vst v1  }
0x3e: {  	s11 =	sor.u32 $0x200, s6;
	[tilespmem:s15+$0xA000] =	vst v1  }
0x3f: {  	[tilespmem:s11+$0xA000] =	vst v1  }
0x40: {  	[tilespmem:s11+$0x8000] =	vst v0  }
0x41: {  	s12 =	sor.u32 $0x280, s6;
	[tilespmem:s15+$0x8000] =	vst v0  }
0x42: {  	[tilespmem:s12+$0xA000] =	vst v1  }
0x43: {  	s26 =	sor.u32 $0x300, s1;
	[tilespmem:s12+$0x8000] =	vst v0  }
0x44: {  	s8 =	sadd.s32 $0x20, s1;
	[tilespmem:s26+$0xA000] =	vst v1  }
0x45: {  	s11 =	sor.u32 $0x200, s8;
	[tilespmem:s26+$0x8000] =	vst v0  }
0x46: {  	[tilespmem:s11+$0xA000] =	vst v1  }
0x47: {  	s16 =	sor.u32 $0x300, s6;
	[tilespmem:s11+$0x8000] =	vst v0  }
0x48: {  	[tilespmem:s16+$0xA000] =	vst v1  }
0x49: {  	s31 =	sor.u32 $0x380, s4;
	[tilespmem:s16+$0x8000] =	vst v0  }
0x4a: {  	[tilespmem:s31+$0x8000] =	vst v0  }
0x4b: {  	s12 =	sor.u32 $0x280, s8;
	[tilespmem:s31+$0xA000] =	vst v1  }
0x4c: {  	[tilespmem:s12+$0xA000] =	vst v1  }
0x4d: {  	s25 =	sor.u32 $0x380, s6;
	[tilespmem:s12+$0x8000] =	vst v0  }
0x4e: {  	[tilespmem:s25+$0xA000] =	vst v1  }
0x4f: {  	[tilespmem:s25+$0x8000] =	vst v0  }
0x50: {  	[tilespmem:s3+$0xB000] =	vst v1  }
0x51: {  	[tilespmem:s3+$0xB080] =	vst v1  }
0x52: {  	[tilespmem:s3+$0x9080] =	vst v0  }
0x53: {  	[tilespmem:s3+$0x9000] =	vst v0  }
0x54: {  	[tilespmem:s3+$0xB100] =	vst v1  }
0x55: {  	[tilespmem:s3+$0x9100] =	vst v0  }
0x56: {  	[tilespmem:s3+$0xB190] =	vst v1  }
0x57: {  	[tilespmem:s3+$0xB110] =	vst v1  }
0x58: {  	s7 =	sor.u32 $0x1180, s7;
	[tilespmem:s3+$0x9190] =	vst v0  }
0x59: {  	[tilespmem:s7+$0xA000] =	vst v1  }
0x5a: {  	[tilespmem:s3+$0x9110] =	vst v0  }
0x5b: {  	[tilespmem:s3+$0x9090] =	vst v0  }
0x5c: {  	[tilespmem:s3+$0xB010] =	vst v1  }
0x5d: {  	[tilespmem:s3+$0x9010] =	vst v0  }
0x5e: {  	[tilespmem:s3+$0xB090] =	vst v1  }
0x5f: {  	s25 =	sor.u32 $0x300, s8;
	[tilespmem:s7+$0x8000] =	vst v0  }
0x60: {  	[tilespmem:s25+$0x8000] =	vst v0  }
0x61: {  	s16 =	sor.u32 $0x1200, s1;
	[tilespmem:s25+$0xA000] =	vst v1  }
0x62: {  	[tilespmem:s16+$0x8000] =	vst v0  }
0x63: {  	s26 =	sor.u32 $0x380, s8;
	[tilespmem:s16+$0xA000] =	vst v1  }
0x64: {  	[tilespmem:s26+$0x8000] =	vst v0  }
0x65: {  	s25 =	sor.u32 $0x280, s14;
	[tilespmem:s26+$0xA000] =	vst v1  }
0x66: {  	[tilespmem:s25+$0x8000] =	vst v0  }
0x67: {  	[tilespmem:s25+$0xA000] =	vst v1  }
0x68: {  	[tilespmem:s3+$0xB1A0] =	vst v1  }
0x69: {  	[tilespmem:s3+$0x9120] =	vst v0  }
0x6a: {  	[tilespmem:s3+$0xB0A0] =	vst v1  }
0x6b: {  	[tilespmem:s3+$0x90A0] =	vst v0  }
0x6c: {  	[tilespmem:s3+$0xB020] =	vst v1  }
0x6d: {  	[tilespmem:s3+$0x9020] =	vst v0  }
0x6e: {  	[tilespmem:s3+$0x91A0] =	vst v0  }
0x6f: {  	s7 =	sor.u32 $0x1280, s1;
	[tilespmem:s3+$0xB120] =	vst v1  }
0x70: {  	s16 =	sor.u32 $0x1200, s6;
	[tilespmem:s7+$0x8000] =	vst v0  }
0x71: {  	[tilespmem:s16+$0x8000] =	vst v0  }
0x72: {  	[tilespmem:s16+$0xA000] =	vst v1  }
0x73: {  	s31 =	sor.u32 $0x1200, s8;
	[tilespmem:s7+$0xA000] =	vst v1  }
0x74: {  	[tilespmem:s31+$0x8000] =	vst v0  }
0x75: {  	s26 =	sor.u32 $0x1280, s6;
	[tilespmem:s31+$0xA000] =	vst v1  }
0x76: {  	[tilespmem:s26+$0xA000] =	vst v1  }
0x77: {  	s1 =	sor.u32 $0x1300, s1;
	[tilespmem:s26+$0x8000] =	vst v0  }
0x78: {  	[tilespmem:s1+$0x8000] =	vst v0  }
0x79: {  	s11 =	sor.u32 $0x1280, s8;
	[tilespmem:s1+$0xA000] =	vst v1  }
0x7a: {  	[tilespmem:s11+$0x8000] =	vst v0  }
0x7b: {  	s31 =	sor.u32 $0x1300, s6;
	[tilespmem:s11+$0xA000] =	vst v1  }
0x7c: {  	[tilespmem:s31+$0x8000] =	vst v0  }
0x7d: {  	s12 =	sor.u32 $0x1300, s8;
	[tilespmem:s31+$0xA000] =	vst v1  }
0x7e: {  	[tilespmem:s12+$0x8000] =	vst v0  }
0x7f: {  	s11 =	sor.u32 $0x1380, s4;
	[tilespmem:s12+$0xA000] =	vst v1  }
0x80: {  	[tilespmem:s11+$0x8000] =	vst v0  }
0x81: {  	s1 =	sor.u32 $0x1380, s6;
	[tilespmem:s11+$0xA000] =	vst v1  }
0x82: {  	s8 =	sor.u32 $0x1380, s8;
	[tilespmem:s1+$0x8000] =	vst v0  }
0x83: {  	[tilespmem:s8+$0x8000] =	vst v0  }
0x84: {  	s12 =	sor.u32 $0x300, s14;
	[tilespmem:s8+$0xA000] =	vst v1  }
0x85: {  	[tilespmem:s12+$0x8000] =	vst v0  }
0x86: {  	s15 =	sor.u32 $0x380, s14;
	[tilespmem:s12+$0xA000] =	vst v1  }
0x87: {  	[tilespmem:s15+$0x8000] =	vst v0  }
0x88: {  	[tilespmem:s15+$0xA000] =	vst v1  }
0x89: {  	[tilespmem:s3+$0x9030] =	vst v0  }
0x8a: {  	[tilespmem:s3+$0xB030] =	vst v1  }
0x8b: {  	[tilespmem:s3+$0x90B0] =	vst v0  }
0x8c: {  	[tilespmem:s3+$0xB0B0] =	vst v1  }
0x8d: {  	[tilespmem:s3+$0xB130] =	vst v1  }
0x8e: {  	[tilespmem:s3+$0xB1B0] =	vst v1  }
0x8f: {  	[tilespmem:s3+$0x91B0] =	vst v0  }
0x90: {  	s16 =	sor.u32 $0x1200, s14;
	[tilespmem:s3+$0x9130] =	vst v0  }
0x91: {  	[tilespmem:s16+$0x8000] =	vst v0  }
0x92: {  	s25 =	sor.u32 $0x1280, s14;
	[tilespmem:s16+$0xA000] =	vst v1  }
0x93: {  	[tilespmem:s25+$0x8000] =	vst v0  }
0x94: {  	s26 =	sor.u32 $0x1300, s14;
	[tilespmem:s25+$0xA000] =	vst v1  }
0x95: {  	[tilespmem:s26+$0x8000] =	vst v0  }
0x96: {  	s31 =	sor.u32 $0x1380, s14;
	[tilespmem:s26+$0xA000] =	vst v1  }
0x97: {  	s28 =	simm.s32 $0x240;
	s29 =	simm.s32 $0x200;
	[tilespmem:s31+$0x8000] =	vst v0  }
0x98: {  	s30 =	simm.s32 $0x40;
	p0 =	por !p0, !p0;
	s26 =	simm.s32 $0x0;
	[tilespmem:s31+$0xA000] =	vst v1  }
.LBB2_2:
0x99: {  	s3 =	sand.u32 $0xFFFFFC00, s29;
	s5 =	sand.u32 $0x40, s30;
	s6 =	sand.u32 $0xC00, s29;
	[tilespmem:s1+$0xA000] =	vst v1  }
0x9a: {  	s26 =	sadd.s32 $0x4, s26;
	s25 =	sor.u32 s5, s6;
	s7 =	sadd.s32 s3, s30  }
0x9b: {  	p1 =	slt.u32 s26, $0x1C;
	[tilespmem:s25+$0x8090] =	vst v0  }
0x9c: {  	[tilespmem:s25+$0xA020] =	vst v1  }
0x9d: {  	s1 =	simm.s32 $0x1;
	[tilespmem:s25+$0xA090] =	vst v1  }
0x9e: {  	s1 =	simm.s32 @!p0 $0x0;
	[tilespmem:s25+$0xA190] =	vst v1  }
0x9f: {  	s1 =	sshll.u32 s1, $0x6;
	[tilespmem:s25+$0xA110] =	vst v1  }
0xa0: {  	s11 =	sor.u32 $0x180, s7;
	s3 =	sadd.s32 s1, s29;
	[tilespmem:s25+$0xA0A0] =	vst v1  }
0xa1: {  	s12 =	sor.u32 $0x200, s3;
	s1 =	sadd.s32 $0x10, s3;
	s31 =	sadd.s32 $0x30, s3;
	[tilespmem:s25+$0xA120] =	vst v1  }
0xa2: {  	s14 =	sor.u32 $0x200, s31;
	[tilespmem:s25+$0xA1B0] =	vst v1  }
0xa3: {  	[tilespmem:s25+$0xA010] =	vst v1  }
0xa4: {  	s6 =	sor.u32 $0x280, s3;
	[tilespmem:s25+$0x81A0] =	vst v0  }
0xa5: {  	[tilespmem:s25+$0x81B0] =	vst v0  }
0xa6: {  	s16 =	sor.u32 $0x300, s3;
	[tilespmem:s25+$0xA130] =	vst v1  }
0xa7: {  	[tilespmem:s25+$0x8130] =	vst v0  }
0xa8: {  	s5 =	sor.u32 $0x380, s28;
	[tilespmem:s25+$0xA0B0] =	vst v1  }
0xa9: {  	[tilespmem:s25+$0x80B0] =	vst v0  }
0xaa: {  	[tilespmem:s25+$0xA100] =	vst v1  }
0xab: {  	[tilespmem:s25+$0xA030] =	vst v1  }
0xac: {  	[tilespmem:s25+$0x8080] =	vst v0  }
0xad: {  	[tilespmem:s25+$0x8100] =	vst v0  }
0xae: {  	[tilespmem:s25+$0x8030] =	vst v0  }
0xaf: {  	s15 =	sadd.s32 $0x20, s3;
	[tilespmem:s14+$0xA000] =	vst v1  }
0xb0: {  	s8 =	sor.u32 $0x200, s15;
	[tilespmem:s25+$0xA000] =	vst v1  }
0xb1: {  	[tilespmem:s25+$0xA080] =	vst v1  }
0xb2: {  	[tilespmem:s25+$0x8000] =	vst v0  }
0xb3: {  	s7 =	sor.u32 $0x1180, s7;
	[tilespmem:s11+$0x8000] =	vst v0  }
0xb4: {  	[tilespmem:s11+$0xA000] =	vst v1  }
0xb5: {  	[tilespmem:s12+$0x8000] =	vst v0  }
0xb6: {  	[tilespmem:s12+$0xA000] =	vst v1  }
0xb7: {  	[tilespmem:s6+$0xA000] =	vst v1  }
0xb8: {  	[tilespmem:s25+$0x8190] =	vst v0  }
0xb9: {  	[tilespmem:s25+$0x8110] =	vst v0  }
0xba: {  	s11 =	sor.u32 $0x200, s1;
	[tilespmem:s25+$0x8010] =	vst v0  }
0xbb: {  	[tilespmem:s11+$0xA000] =	vst v1  }
0xbc: {  	[tilespmem:s11+$0x8000] =	vst v0;
	s11 =	sor.u32 $0x280, s1  }
0xbd: {  	[tilespmem:s11+$0xA000] =	vst v1  }
0xbe: {  	[tilespmem:s11+$0x8000] =	vst v0;
	s11 =	sor.u32 $0x300, s1  }
0xbf: {  	[tilespmem:s11+$0xA000] =	vst v1  }
0xc0: {  	[tilespmem:s11+$0x8000] =	vst v0;
	s11 =	sor.u32 $0x380, s1  }
0xc1: {  	[tilespmem:s11+$0xA000] =	vst v1  }
0xc2: {  	[tilespmem:s11+$0x8000] =	vst v0  }
0xc3: {  	[tilespmem:s6+$0x8000] =	vst v0  }
0xc4: {  	[tilespmem:s16+$0xA000] =	vst v1  }
0xc5: {  	[tilespmem:s16+$0x8000] =	vst v0  }
0xc6: {  	[tilespmem:s25+$0xB190] =	vst v1  }
0xc7: {  	[tilespmem:s5+$0x8000] =	vst v0  }
0xc8: {  	[tilespmem:s25+$0xB110] =	vst v1  }
0xc9: {  	[tilespmem:s25+$0x9190] =	vst v0  }
0xca: {  	s6 =	sor.u32 $0x1200, s1;
	[tilespmem:s5+$0xA000] =	vst v1  }
0xcb: {  	[tilespmem:s25+$0xB000] =	vst v1  }
0xcc: {  	s5 =	sor.u32 $0x1280, s1;
	[tilespmem:s25+$0xB080] =	vst v1  }
0xcd: {  	[tilespmem:s25+$0x9080] =	vst v0  }
0xce: {  	s16 =	sor.u32 $0x1300, s1;
	[tilespmem:s25+$0x9000] =	vst v0  }
0xcf: {  	[tilespmem:s25+$0xB100] =	vst v1  }
0xd0: {  	s1 =	sor.u32 $0x1380, s1;
	[tilespmem:s25+$0xA1A0] =	vst v1  }
0xd1: {  	[tilespmem:s25+$0x80A0] =	vst v0  }
0xd2: {  	[tilespmem:s25+$0x9100] =	vst v0  }
0xd3: {  	s11 =	sor.u32 $0x1200, s3;
	[tilespmem:s7+$0xA000] =	vst v1  }
0xd4: {  	[tilespmem:s25+$0x9110] =	vst v0  }
0xd5: {  	[tilespmem:s25+$0x9090] =	vst v0  }
0xd6: {  	[tilespmem:s25+$0xB010] =	vst v1  }
0xd7: {  	[tilespmem:s25+$0x9010] =	vst v0  }
0xd8: {  	[tilespmem:s25+$0xB090] =	vst v1  }
0xd9: {  	[tilespmem:s25+$0x8020] =	vst v0  }
0xda: {  	[tilespmem:s25+$0x8120] =	vst v0  }
0xdb: {  	[tilespmem:s8+$0xA000] =	vst v1  }
0xdc: {  	[tilespmem:s8+$0x8000] =	vst v0;
	s8 =	sor.u32 $0x280, s15  }
0xdd: {  	[tilespmem:s8+$0xA000] =	vst v1  }
0xde: {  	[tilespmem:s8+$0x8000] =	vst v0;
	s8 =	sor.u32 $0x300, s15  }
0xdf: {  	[tilespmem:s7+$0x8000] =	vst v0  }
0xe0: {  	s7 =	sor.u32 $0x380, s15;
	[tilespmem:s11+$0x8000] =	vst v0  }
0xe1: {  	[tilespmem:s11+$0xA000] =	vst v1  }
0xe2: {  	[tilespmem:s8+$0x8000] =	vst v0  }
0xe3: {  	[tilespmem:s8+$0xA000] =	vst v1  }
0xe4: {  	[tilespmem:s7+$0x8000] =	vst v0  }
0xe5: {  	[tilespmem:s7+$0xA000] =	vst v1  }
0xe6: {  	[tilespmem:s25+$0xB1A0] =	vst v1  }
0xe7: {  	[tilespmem:s25+$0x9120] =	vst v0  }
0xe8: {  	[tilespmem:s25+$0xB0A0] =	vst v1  }
0xe9: {  	[tilespmem:s25+$0x90A0] =	vst v0  }
0xea: {  	[tilespmem:s25+$0xB020] =	vst v1  }
0xeb: {  	[tilespmem:s25+$0x9020] =	vst v0  }
0xec: {  	[tilespmem:s25+$0x91A0] =	vst v0  }
0xed: {  	s7 =	sor.u32 $0x1280, s3;
	[tilespmem:s25+$0xB120] =	vst v1  }
0xee: {  	s8 =	sor.u32 $0x1200, s15;
	[tilespmem:s7+$0x8000] =	vst v0  }
0xef: {  	[tilespmem:s8+$0x8000] =	vst v0  }
0xf0: {  	[tilespmem:s8+$0xA000] =	vst v1;
	s8 =	sor.u32 $0x1280, s15  }
0xf1: {  	[tilespmem:s8+$0x8000] =	vst v0  }
0xf2: {  	[tilespmem:s8+$0xA000] =	vst v1;
	s8 =	sor.u32 $0x1300, s15  }
0xf3: {  	[tilespmem:s8+$0x8000] =	vst v0  }
0xf4: {  	[tilespmem:s8+$0xA000] =	vst v1;
	s8 =	sor.u32 $0x1380, s15  }
0xf5: {  	[tilespmem:s8+$0x8000] =	vst v0  }
0xf6: {  	[tilespmem:s6+$0x8000] =	vst v0  }
0xf7: {  	[tilespmem:s6+$0xA000] =	vst v1  }
0xf8: {  	[tilespmem:s8+$0xA000] =	vst v1  }
0xf9: {  	s6 =	sor.u32 $0x280, s31;
	[tilespmem:s14+$0x8000] =	vst v0  }
0xfa: {  	[tilespmem:s6+$0x8000] =	vst v0  }
0xfb: {  	[tilespmem:s6+$0xA000] =	vst v1  }
0xfc: {  	[tilespmem:s5+$0xA000] =	vst v1  }
0xfd: {  	[tilespmem:s5+$0x8000] =	vst v0  }
0xfe: {  	[tilespmem:s16+$0x8000] =	vst v0  }
0xff: {  	s3 =	sor.u32 $0x1300, s3;
	[tilespmem:s7+$0xA000] =	vst v1  }
0x100: {  	[tilespmem:s3+$0x8000] =	vst v0  }
0x101: {  	[tilespmem:s3+$0xA000] =	vst v1;
	s3 =	sor.u32 $0x1380, s28  }
0x102: {  	[tilespmem:s3+$0x8000] =	vst v0  }
0x103: {  	[tilespmem:s3+$0xA000] =	vst v1  }
0x104: {  	[tilespmem:s16+$0xA000] =	vst v1  }
0x105: {  	s3 =	sor.u32 $0x300, s31;
	[tilespmem:s1+$0x8000] =	vst v0  }
0x106: {  	[tilespmem:s3+$0x8000] =	vst v0  }
0x107: {  	[tilespmem:s3+$0xA000] =	vst v1;
	s3 =	sor.u32 $0x380, s31  }
0x108: {  	[tilespmem:s3+$0x8000] =	vst v0  }
0x109: {  	[tilespmem:s3+$0xA000] =	vst v1  }
0x10a: {  	[tilespmem:s25+$0x9030] =	vst v0  }
0x10b: {  	[tilespmem:s25+$0xB030] =	vst v1  }
0x10c: {  	[tilespmem:s25+$0x90B0] =	vst v0  }
0x10d: {  	[tilespmem:s25+$0xB0B0] =	vst v1  }
0x10e: {  	[tilespmem:s25+$0xB130] =	vst v1  }
0x10f: {  	[tilespmem:s25+$0xB1B0] =	vst v1  }
0x110: {  	[tilespmem:s25+$0x91B0] =	vst v0  }
0x111: {  	s3 =	sor.u32 $0x1200, s31;
	[tilespmem:s25+$0x9130] =	vst v0  }
0x112: {  	[tilespmem:s3+$0x8000] =	vst v0  }
0x113: {  	[tilespmem:s3+$0xA000] =	vst v1;
	s3 =	sor.u32 $0x1280, s31  }
0x114: {  	[tilespmem:s3+$0x8000] =	vst v0  }
.Ltmp0:
0x115: {  	[tilespmem:s3+$0xA000] =	vst v1;
	s3 =	sor.u32 $0x1300, s31;
	(pc) =	sbr.rel @p1 .LBB2_2-.Ltmp0, $4  }
0x116: {  	[tilespmem:s3+$0x8000] =	vst v0  }
0x117: {  	[tilespmem:s3+$0xA000] =	vst v1;
	s3 =	sor.u32 $0x1380, s31  }
0x118: {  	s28 =	sadd.s32 $0x240, s28;
	s25 =	simm.s32 $0x0;
	[tilespmem:s3+$0x8000] =	vst v0  }
0x119: {  	p0 =	por !p0, !p0;
	s30 =	sadd.s32 $0x40, s30;
	s29 =	sadd.s32 $0x200, s29;
	[tilespmem:s3+$0xA000] =	vst v1  }
0x11a: {  	[tilespmem:s1+$0xA000] =	vst v1  }
.LBB2_4:
0x11b: {  	_ =	swait.ge [sflag:s17], $0x2000  }
0x11c: {  	[sflag:s17] =	ssyncset.done $0x0  }
0x11d: {  	[sflag:s17] =	ssyncadd.s32 $0xFFFFE000  }
0x11e: {  	_ =	swait.ge [sflag:s18], $0x2000  }
0x11f: {  	[sflag:s18] =	ssyncset.done $0x0  }
0x120: {  	s1 =	simm.s32 $0x2040;
	[sflag:s18] =	ssyncadd.s32 $0xFFFFE000  }
0x121: {  	v13 =	vld [tilespmem:s1+$0x30]  }
0x122: {  	v3 =	vld [tilespmem:s1+$0xFFFFFFC0]  }
0x123: {  	v4 =	vld [tilespmem:s1+$0xFFFFFFD0]  }
0x124: {  	v5 =	vld [tilespmem:s1+$0xFFFFFFE0]  }
0x125: {  	v14 =	vld [tilespmem:s1+$0xFFFFFFF0]  }
0x126: {  	v15 =	vld [tilespmem:s1+$0x0];
	_ =	sdelay $0x1  }
0x127: {  	s26 =	simm.s32 $0x40;
	v16 =	vld [tilespmem:s1+$0x10];
	v6 =	vcvt.s32.f32 v13;
	v7 =	vcvt.s32.f32 v3;
	v3 =	vshll.u32 v3, $0x10  }
0x128: {  	v8 =	vld [tilespmem:s26+$0x30];
	v9 =	vcvt.s32.f32 v4;
	v4 =	vshll.u32 v4, $0x10;
	v10 =	vcvt.s32.f32 v5  }
0x129: {  	v18 =	vld [tilespmem:s1+$0x20];
	v12 =	vcvt.s32.f32 v14;
	v6 =	vadd.f32 v6, v6;
	v7 =	vadd.f32 v7, v7  }
0x12a: {  	v11 =	vld [tilespmem:s26+$0xFFFFFFD0];
	v19 =	vcvt.s32.f32 v15;
	v9 =	vadd.f32 v9, v9;
	v10 =	vadd.f32 v10, v10  }
0x12b: {  	v5 =	vshll.u32 v5, $0x10;
	v6 =	vadd.f32 $-1.000000000e+00, v6;
	v17 =	vadd.f32 $-1.000000000e+00, v7;
	v7 =	vld [tilespmem:s26+$0xFFFFFFE0]  }
0x12c: {  	v20 =	vld [tilespmem:s26+$0xFFFFFFF0];
	v21 =	vcvt.s32.f32 v16;
	v12 =	vadd.f32 v12, v12;
	v19 =	vadd.f32 v19, v19  }
0x12d: {  	v9 =	vadd.f32 $-1.000000000e+00, v9;
	v6 =	vmul.f32 v6, v8;
	v8 =	vadd.f32 $-1.000000000e+00, v10;
	v10 =	vld [tilespmem:s26+$0x0]  }
0x12e: {  	v22 =	vld [tilespmem:s26+$0x10];
	v23 =	vcvt.s32.f32 v18;
	v13 =	vshll.u32 v13, $0x10;
	v12 =	vadd.f32 $-1.000000000e+00, v12  }
0x12f: {  	v24 =	vsub.f32 $1.000000000e+00, v6;
	v6 =	vmul.f32 v9, v11;
	v9 =	vadd.f32 $-1.000000000e+00, v19;
	v19 =	vld [tilespmem:s26+$0x20]  }
0x130: {  	v11 =	vadd.f32 v21, v21;
	v21 =	vld [tilespmem:s26+$0xFFFFFFC0];
	v7 =	vmul.f32 v8, v7;
	v8 =	vadd.f32 v23, v23  }
0x131: {  	v12 =	vmul.f32 v12, v20;
	v23 =	vsub.f32 $1.100000000e+01, v24;
	v6 =	vsub.f32 $1.000000000e+00, v6  }
0x132: {  	v20 =	vadd.f32 $-1.000000000e+00, v11;
	v9 =	vmul.f32 v9, v10;
	v10 =	vadd.f32 $-1.000000000e+00, v8  }
0x133: {  	v11 =	vsub.f32 $1.000000000e+00, v7;
	v7 =	vsub.f32 $1.000000000e+00, v12;
	v23 =	vmul.f32 $2.560000040e+01, v23  }
0x134: {  	v12 =	vmul.f32 v20, v22;
	v8 =	vsub.f32 $1.000000000e+00, v9;
	v9 =	vmul.f32 v10, v19  }
0x135: {  	v17 =	vmul.f32 v17, v21;
	v21 =	vsub.f32 $1.100000000e+01, v7;
	v19 =	vmax.f32 v23, $0.0e+00  }
0x136: {  	v10 =	vsub.f32 $1.000000000e+00, v12;
	v12 =	vmin.f32 v19, $5.110000000e+02;
	v19 =	vsub.f32 $1.100000000e+01, v6  }
0x137: {  	v18 =	vshll.u32 v18, $0x10;
	v9 =	vsub.f32 $1.000000000e+00, v9;
	v22 =	vsub.f32 $1.100000000e+01, v8  }
0x138: {  	v21 =	vmul.f32 $2.560000040e+01, v21;
	v20 =	vtrunc.f32 v12;
	v12 =	vsub.f32 $1.000000000e+00, v17  }
0x139: {  	v17 =	vsub.f32 $1.100000000e+01, v11;
	v25 =	vsub.f32 $1.100000000e+01, v10;
	v20 =	vcvt.f32.s32 v20  }
0x13a: {  	v19 =	vmul.f32 $2.560000040e+01, v19;
	v27 =	vsub.f32 $1.100000000e+01, v9;
	v22 =	vmul.f32 $2.560000040e+01, v22  }
0x13b: {  	v21 =	vmax.f32 v21, $0.0e+00;
	v23 =	vsub.f32 $1.100000000e+01, v12;
	v17 =	vmul.f32 $2.560000040e+01, v17  }
0x13c: {  	v25 =	vmul.f32 $2.560000040e+01, v25;
	v21 =	vmin.f32 v21, $5.110000000e+02;
	v26 =	vshll.u32 v20, $0x3  }
0x13d: {  	v20 =	vand.u32 $0x7F, v20;
	v19 =	vmax.f32 v19, $0.0e+00;
	v22 =	vmax.f32 v22, $0.0e+00  }
0x13e: {  	v21 =	vtrunc.f32 v21;
	v26 =	vand.u32 $0xFFFFFC00, v26;
	v23 =	vmul.f32 $2.560000040e+01, v23  }
0x13f: {  	v17 =	vmax.f32 v17, $0.0e+00;
	v25 =	vmax.f32 v25, $0.0e+00;
	v22 =	vmin.f32 v22, $5.110000000e+02  }
0x140: {  	v21 =	vcvt.f32.s32 v21;
	v20 =	vor.u32 v20, v26;
	v26 =	vmul.f32 $2.560000040e+01, v27  }
0x141: {  	v27 =	vor.u32 $0x1, v13;
	v13 =	vmin.f32 v19, $5.110000000e+02;
	v17 =	vmin.f32 v17, $5.110000000e+02  }
0x142: {  	v19 =	vmax.f32 v24, $0.0e+00;
	v24 =	vmin.f32 v25, $5.110000000e+02;
	v22 =	vtrunc.f32 v22  }
0x143: {  	v20 =	vadd.s32 v2, v20;
	v23 =	vmax.f32 v23, $0.0e+00;
	v25 =	vtrunc.f32 v13  }
0x144: {  	v28 =	vtrunc.f32 v17;
	v17 =	vshll.u32 v14, $0x10;
	v14 =	vshll.u32 v15, $0x10  }
0x145: {  	v15 =	vtrunc.f32 v24;
	v13 =	vshll.u32 v16, $0x10;
	v22 =	vcvt.f32.s32 v22  }
0x146: {  	v30 =	vshll.u32 v21, $0x3;
	v21 =	vand.u32 $0x7F, v21;
	v23 =	vmin.f32 v23, $5.110000000e+02  }
0x147: {  	v26 =	vmax.f32 v26, $0.0e+00;
	v24 =	vcvt.f32.s32 v25;
	v25 =	vcvt.f32.s32 v28  }
0x148: {  	v15 =	vcvt.f32.s32 v15;
	v30 =	vand.u32 $0xFFFFFC00, v30;
	v23 =	vtrunc.f32 v23  }
0x149: {  	v26 =	vmin.f32 v26, $5.110000000e+02;
	v31 =	vshll.u32 v22, $0x3;
	v22 =	vand.u32 $0x7F, v22  }
0x14a: {  	v23 =	vcvt.f32.s32 v23;
	v16 =	vtrunc.f32 v26;
	v63 =	vshll.u32 v24, $0x3  }
0x14b: {  	v29 =	vshll.u32 v25, $0x3;
	v32 =	vshll.u32 v15, $0x3;
	v31 =	vand.u32 $0xFFFFFC00, v31  }
0x14c: {  	v24 =	vand.u32 $0x7F, v24;
	v25 =	vand.u32 $0x7F, v25;
	v15 =	vand.u32 $0x7F, v15  }
0x14d: {  	v16 =	vcvt.f32.s32 v16;
	v28 =	vand.u32 $0xFFFFFC00, v63;
	v29 =	vand.u32 $0xFFFFFC00, v29  }
0x14e: {  	v32 =	vand.u32 $0xFFFFFC00, v32;
	v26 =	vshll.u32 v23, $0x3;
	v23 =	vand.u32 $0x7F, v23  }
0x14f: {  	[tilespmem:v20+s19+$0x0] =	vst.idx.add.s32.msk $0xffff, v27;
	v27 =	vor.u32 v21, v30;
	v21 =	vor.u32 v22, v31;
	v26 =	vand.u32 $0xFFFFFC00, v26  }
0x150: {  	v33 =	vshll.u32 v16, $0x3;
	[tilespmem:v20+s20+$0x0] =	vst.idx.add.f32.msk $0xffff, v19;
	v16 =	vand.u32 $0x7F, v16;
	v20 =	vor.u32 v15, v32  }
0x151: {  	v33 =	vand.u32 $0xFFFFFC00, v33;
	v19 =	vor.u32 v23, v26;
	v23 =	vor.u32 v24, v28  }
0x152: {  	v24 =	vor.u32 v25, v29;
	v26 =	vadd.s32 v2, v19;
	v15 =	vor.u32 v16, v33  }
0x153: {  	s28 =	simm.s32 $0x0;
	s29 =	simm.s32 $0x20C0;
	v25 =	vadd.s32 v2, v23;
	v22 =	vadd.s32 v2, v24;
	v19 =	vadd.s32 v2, v27  }
.LBB2_5:
0x154: {  	v16 =	vld [tilespmem:s29+$0x30];
	v24 =	vadd.s32 v2, v21;
	v21 =	vadd.s32 v2, v20;
	v20 =	vadd.s32 v2, v15  }
0x155: {  	s28 =	sadd.s32 $0x8, s28;
	v12 =	vmax.f32 v12, $0.0e+00;
	v28 =	vmax.f32 v6, $0.0e+00;
	v29 =	vmax.f32 v11, $0.0e+00;
	v27 =	vld [tilespmem:s29+$0xFFFFFFC0]  }
0x156: {  	v30 =	vmax.f32 v7, $0.0e+00;
	v31 =	vmax.f32 v8, $0.0e+00;
	v32 =	vmax.f32 v10, $0.0e+00;
	p0 =	slt.u32 s28, $0x1F8;
	v6 =	vld [tilespmem:s29+$0xFFFFFFD0]  }
0x157: {  	v8 =	vor.u32 $0x1, v3;
	v10 =	vor.u32 $0x1, v4;
	v23 =	vmax.f32 v9, $0.0e+00;
	v7 =	vld [tilespmem:s29+$0xFFFFFFE0]  }
0x158: {  	v9 =	vor.u32 $0x1, v5;
	v17 =	vor.u32 $0x1, v17;
	v33 =	vor.u32 $0x1, v14;
	v15 =	vld [tilespmem:s29+$0xFFFFFFF0]  }
0x159: {  	v34 =	vor.u32 $0x1, v13;
	v35 =	vor.u32 $0x1, v18;
	s26 =	sadd.s32 $0x80, s26;
	v14 =	vld [tilespmem:s29+$0x0];
	v5 =	vcvt.s32.f32 v16  }
0x15a: {  	v11 =	vcvt.s32.f32 v27;
	v3 =	vshll.u32 v27, $0x10;
	v27 =	vld [tilespmem:s26+$0x30]  }
0x15b: {  	v36 =	vcvt.s32.f32 v6;
	v4 =	vshll.u32 v6, $0x10;
	v13 =	vld [tilespmem:s29+$0x10];
	v6 =	vadd.f32 v5, v5  }
0x15c: {  	v11 =	vadd.f32 v11, v11;
	v37 =	vcvt.s32.f32 v7;
	v5 =	vshll.u32 v7, $0x10;
	v18 =	vld [tilespmem:s29+$0x20]  }
0x15d: {  	v7 =	vld [tilespmem:s26+$0xFFFFFFD0];
	v36 =	vadd.f32 v36, v36;
	v38 =	vcvt.s32.f32 v15;
	v6 =	vadd.f32 $-1.000000000e+00, v6  }
0x15e: {  	v39 =	vadd.f32 $-1.000000000e+00, v11;
	v11 =	vld [tilespmem:s26+$0xFFFFFFE0];
	v37 =	vadd.f32 v37, v37;
	v40 =	vcvt.s32.f32 v14  }
0x15f: {  	v36 =	vadd.f32 $-1.000000000e+00, v36;
	v41 =	vld [tilespmem:s26+$0xFFFFFFF0];
	v38 =	vadd.f32 v38, v38;
	v6 =	vmul.f32 v6, v27  }
0x160: {  	v27 =	vadd.f32 $-1.000000000e+00, v37;
	v37 =	vld [tilespmem:s26+$0x0];
	v40 =	vadd.f32 v40, v40;
	v42 =	vcvt.s32.f32 v13  }
0x161: {  	v38 =	vadd.f32 $-1.000000000e+00, v38;
	v43 =	vld [tilespmem:s26+$0x10];
	v44 =	vcvt.s32.f32 v18;
	v45 =	vsub.f32 $1.000000000e+00, v6  }
0x162: {  	v6 =	vmul.f32 v36, v7;
	v7 =	vadd.f32 $-1.000000000e+00, v40;
	v36 =	vadd.f32 v42, v42;
	v40 =	vld [tilespmem:s26+$0x20]  }
0x163: {  	v42 =	vld [tilespmem:s26+$0xFFFFFFC0];
	v11 =	vmul.f32 v27, v11;
	v27 =	vadd.f32 v44, v44;
	v44 =	vsub.f32 $1.100000000e+01, v45  }
0x164: {  	v6 =	vsub.f32 $1.000000000e+00, v6;
	v38 =	vmul.f32 v38, v41;
	v36 =	vadd.f32 $-1.000000000e+00, v36;
	[tilespmem:v26+s19+$0x0] =	vst.idx.add.s32.msk $0xffff, v8  }
0x165: {  	v8 =	vmul.f32 v7, v37;
	v27 =	vadd.f32 $-1.000000000e+00, v27;
	v37 =	vmul.f32 $2.560000040e+01, v44;
	[tilespmem:v26+s20+$0x0] =	vst.idx.add.f32.msk $0xffff, v12  }
0x166: {  	v11 =	vsub.f32 $1.000000000e+00, v11;
	v7 =	vsub.f32 $1.000000000e+00, v38;
	v12 =	vmul.f32 v36, v43;
	[tilespmem:v25+s19+$0x0] =	vst.idx.add.s32.msk $0xffff, v10  }
0x167: {  	v8 =	vsub.f32 $1.000000000e+00, v8;
	v26 =	vmul.f32 v27, v40;
	v27 =	vmax.f32 v37, $0.0e+00;
	[tilespmem:v25+s20+$0x0] =	vst.idx.add.f32.msk $0xffff, v28  }
0x168: {  	v25 =	vmul.f32 v39, v42;
	v10 =	vsub.f32 $1.000000000e+00, v12;
	v12 =	vmin.f32 v27, $5.110000000e+02;
	[tilespmem:v22+s19+$0x0] =	vst.idx.add.s32.msk $0xffff, v9  }
0x169: {  	v27 =	vsub.f32 $1.100000000e+01, v6;
	v9 =	vsub.f32 $1.000000000e+00, v26;
	v26 =	vtrunc.f32 v12;
	[tilespmem:v22+s20+$0x0] =	vst.idx.add.f32.msk $0xffff, v29  }
0x16a: {  	v22 =	vsub.f32 $1.100000000e+01, v11;
	v12 =	vsub.f32 $1.000000000e+00, v25;
	v25 =	vcvt.f32.s32 v26;
	[tilespmem:v19+s19+$0x0] =	vst.idx.add.s32.msk $0xffff, v17  }
0x16b: {  	v17 =	vmul.f32 $2.560000040e+01, v27;
	v26 =	vsub.f32 $1.100000000e+01, v7;
	v27 =	vsub.f32 $1.100000000e+01, v8;
	[tilespmem:v19+s20+$0x0] =	vst.idx.add.f32.msk $0xffff, v30  }
0x16c: {  	v28 =	vsub.f32 $1.100000000e+01, v10;
	v19 =	vsub.f32 $1.100000000e+01, v12;
	v29 =	vshll.u32 v25, $0x3;
	[tilespmem:v24+s19+$0x0] =	vst.idx.add.s32.msk $0xffff, v33  }
0x16d: {  	v30 =	vsub.f32 $1.100000000e+01, v9;
	v25 =	vand.u32 $0x7F, v25;
	v29 =	vand.u32 $0xFFFFFC00, v29;
	[tilespmem:v24+s20+$0x0] =	vst.idx.add.f32.msk $0xffff, v31  }
0x16e: {  	v22 =	vmul.f32 $2.560000040e+01, v22;
	v19 =	vmul.f32 $2.560000040e+01, v19;
	v24 =	vor.u32 v25, v29;
	[tilespmem:v21+s19+$0x0] =	vst.idx.add.s32.msk $0xffff, v34  }
0x16f: {  	v25 =	vmul.f32 $2.560000040e+01, v26;
	v26 =	vmul.f32 $2.560000040e+01, v27;
	v24 =	vadd.s32 v2, v24;
	[tilespmem:v21+s20+$0x0] =	vst.idx.add.f32.msk $0xffff, v32  }
0x170: {  	v27 =	vmul.f32 $2.560000040e+01, v30;
	v21 =	vmul.f32 $2.560000040e+01, v28;
	v19 =	vmax.f32 v19, $0.0e+00;
	[tilespmem:v20+s19+$0x0] =	vst.idx.add.s32.msk $0xffff, v35  }
0x171: {  	v17 =	vmax.f32 v17, $0.0e+00;
	v22 =	vmax.f32 v22, $0.0e+00;
	v25 =	vmax.f32 v25, $0.0e+00;
	[tilespmem:v20+s20+$0x0] =	vst.idx.add.f32.msk $0xffff, v23  }
0x172: {  	v16 =	vshll.u32 v16, $0x10;
	v20 =	vmax.f32 v26, $0.0e+00;
	v21 =	vmax.f32 v21, $0.0e+00  }
0x173: {  	v16 =	vor.u32 $0x1, v16;
	v19 =	vmin.f32 v19, $5.110000000e+02;
	v23 =	vmax.f32 v27, $0.0e+00  }
0x174: {  	v17 =	vmin.f32 v17, $5.110000000e+02;
	v22 =	vmin.f32 v22, $5.110000000e+02;
	[tilespmem:v24+s19+$0x0] =	vst.idx.add.s32.msk $0xffff, v16;
	v16 =	vmax.f32 v45, $0.0e+00  }
0x175: {  	v25 =	vmin.f32 v25, $5.110000000e+02;
	v20 =	vmin.f32 v20, $5.110000000e+02;
	v21 =	vmin.f32 v21, $5.110000000e+02;
	[tilespmem:v24+s20+$0x0] =	vst.idx.add.f32.msk $0xffff, v16  }
0x176: {  	v23 =	vmin.f32 v23, $5.110000000e+02;
	v16 =	vtrunc.f32 v19;
	v19 =	vtrunc.f32 v17  }
0x177: {  	v22 =	vtrunc.f32 v22;
	v24 =	vtrunc.f32 v25;
	v17 =	vshll.u32 v15, $0x10  }
0x178: {  	v14 =	vshll.u32 v14, $0x10;
	v15 =	vtrunc.f32 v20;
	v20 =	vtrunc.f32 v21  }
0x179: {  	v13 =	vshll.u32 v13, $0x10;
	v21 =	vtrunc.f32 v23;
	v16 =	vcvt.f32.s32 v16  }
0x17a: {  	v18 =	vshll.u32 v18, $0x10;
	v22 =	vcvt.f32.s32 v22;
	v19 =	vcvt.f32.s32 v19  }
0x17b: {  	v24 =	vcvt.f32.s32 v24;
	v15 =	vcvt.f32.s32 v15;
	v23 =	vshll.u32 v16, $0x3  }
0x17c: {  	v20 =	vcvt.f32.s32 v20;
	v21 =	vcvt.f32.s32 v21;
	v25 =	vshll.u32 v19, $0x3  }
0x17d: {  	v26 =	vshll.u32 v22, $0x3;
	v27 =	vshll.u32 v24, $0x3;
	v28 =	vshll.u32 v15, $0x3  }
0x17e: {  	v29 =	vshll.u32 v20, $0x3;
	v30 =	vshll.u32 v21, $0x3;
	v23 =	vand.u32 $0xFFFFFC00, v23  }
0x17f: {  	v26 =	vand.u32 $0xFFFFFC00, v26;
	v25 =	vand.u32 $0xFFFFFC00, v25;
	v27 =	vand.u32 $0xFFFFFC00, v27  }
0x180: {  	v28 =	vand.u32 $0xFFFFFC00, v28;
	v29 =	vand.u32 $0xFFFFFC00, v29;
	v30 =	vand.u32 $0xFFFFFC00, v30  }
0x181: {  	v22 =	vand.u32 $0x7F, v22;
	v16 =	vand.u32 $0x7F, v16;
	v19 =	vand.u32 $0x7F, v19  }
.Ltmp1:
0x182: {  	v24 =	vand.u32 $0x7F, v24;
	v15 =	vand.u32 $0x7F, v15;
	v20 =	vand.u32 $0x7F, v20;
	(pc) =	sbr.rel @p0 .LBB2_5-.Ltmp1, $4  }
0x183: {  	v16 =	vor.u32 v16, v23;
	v19 =	vor.u32 v19, v25;
	v23 =	vand.u32 $0x7F, v21  }
0x184: {  	v22 =	vor.u32 v22, v26;
	v24 =	vor.u32 v24, v27;
	v21 =	vor.u32 v15, v28  }
0x185: {  	v20 =	vor.u32 v20, v29;
	v26 =	vadd.s32 v2, v16;
	v15 =	vor.u32 v23, v30  }
0x186: {  	s29 =	sadd.s32 $0x80, s29;
	v22 =	vadd.s32 v2, v22;
	v25 =	vadd.s32 v2, v19;
	v19 =	vadd.s32 v2, v24  }
0x187: {  	_ =	sdelay $0x2  }
0x188: {  	v3 =	vor.u32 $0x1, v3  }
0x189: {  	v5 =	vor.u32 $0x1, v5;
	[tilespmem:v26+s19+$0x0] =	vst.idx.add.s32.msk $0xffff, v3  }
0x18a: {  	v12 =	vmax.f32 v12, $0.0e+00;
	[tilespmem:v22+s19+$0x0] =	vst.idx.add.s32.msk $0xffff, v5  }
0x18b: {  	v3 =	vor.u32 $0x1, v4;
	[tilespmem:v26+s20+$0x0] =	vst.idx.add.f32.msk $0xffff, v12  }
0x18c: {  	v4 =	vmax.f32 v6, $0.0e+00;
	v6 =	vor.u32 $0x1, v17;
	[tilespmem:v25+s19+$0x0] =	vst.idx.add.s32.msk $0xffff, v3;
	v3 =	vadd.s32 v2, v21  }
0x18d: {  	[tilespmem:v19+s19+$0x0] =	vst.idx.add.s32.msk $0xffff, v6  }
0x18e: {  	v5 =	vadd.s32 v2, v20;
	[tilespmem:v25+s20+$0x0] =	vst.idx.add.f32.msk $0xffff, v4;
	v4 =	vmax.f32 v11, $0.0e+00  }
0x18f: {  	[tilespmem:v22+s20+$0x0] =	vst.idx.add.f32.msk $0xffff, v4;
	v4 =	vmax.f32 v7, $0.0e+00  }
0x190: {  	v6 =	vadd.s32 v2, v15;
	v7 =	vor.u32 $0x1, v14;
	[tilespmem:v19+s20+$0x0] =	vst.idx.add.f32.msk $0xffff, v4  }
0x191: {  	v4 =	vmax.f32 v8, $0.0e+00;
	[tilespmem:v3+s19+$0x0] =	vst.idx.add.s32.msk $0xffff, v7  }
0x192: {  	v7 =	vor.u32 $0x1, v13;
	[tilespmem:v3+s20+$0x0] =	vst.idx.add.f32.msk $0xffff, v4  }
0x193: {  	s26 =	sshll.u32 s25, $0xE;
	p0 =	seq.s32 s25, $0x7;
	v3 =	vmax.f32 v10, $0.0e+00;
	[tilespmem:v5+s19+$0x0] =	vst.idx.add.s32.msk $0xffff, v7  }
0x194: {  	s1 =	sadd.s32 @!p0 s26, s9;
	v4 =	vor.u32 $0x1, v18;
	[tilespmem:v5+s20+$0x0] =	vst.idx.add.f32.msk $0xffff, v3  }
0x195: {  	s1 =	sshrl.u32 @!p0 s1, $0x3;
	v3 =	vmax.f32 v9, $0.0e+00;
	[tilespmem:v6+s19+$0x0] =	vst.idx.add.s32.msk $0xffff, v4  }
0x196: {  	s5 =	simm.s32 @!p0 $0x0;
	s3 =	sadd.s32 @!p0 s0, s1;
	[tilespmem:v6+s20+$0x0] =	vst.idx.add.f32.msk $0xffff, v3  }
0x197: {  	[tilespmem:s5], [sflag:$0x1] =	stream.linear.gather @!p0 [hbm4b:s3+s5], $0x2000, $0x38;
	[tilespmem:$0xC000] =	vst v63  }
0x198: {  	s1 =	sadd.s32 @!p0 s2, s1;
	s3 =	simm.s32 @!p0 $0x2000  }
0x199: {  	[tilespmem:s3], [sflag:$0x2] =	stream.linear.gather @!p0 [hbm4b:s1+s5], $0x2000, $0x38;
	[tilespmem:$0xC000] =	vst v63  }
0x19a: {  	_ =	swait.ge [sflag:s21], $0x2000  }
0x19b: {  	[sflag:s21] =	ssyncset.done $0x0  }
0x19c: {  	[sflag:s21] =	ssyncadd.s32 $0xFFFFE000  }
0x19d: {  	_ =	swait.ge [sflag:s22], $0x2000  }
0x19e: {  	[sflag:s22] =	ssyncset.done $0x0  }
0x19f: {  	s31 =	simm.s32 $0x6040;
	[sflag:s22] =	ssyncadd.s32 $0xFFFFE000  }
0x1a0: {  	v13 =	vld [tilespmem:s31+$0x30]  }
0x1a1: {  	v3 =	vld [tilespmem:s31+$0xFFFFFFC0]  }
0x1a2: {  	v4 =	vld [tilespmem:s31+$0xFFFFFFD0]  }
0x1a3: {  	v5 =	vld [tilespmem:s31+$0xFFFFFFE0]  }
0x1a4: {  	v14 =	vld [tilespmem:s31+$0xFFFFFFF0]  }
0x1a5: {  	v16 =	vld [tilespmem:s31+$0x0];
	_ =	sdelay $0x1  }
0x1a6: {  	s28 =	simm.s32 $0x4040;
	v17 =	vld [tilespmem:s31+$0x10];
	v6 =	vcvt.s32.f32 v13;
	v7 =	vcvt.s32.f32 v3;
	v3 =	vshll.u32 v3, $0x10  }
0x1a7: {  	v8 =	vld [tilespmem:s28+$0x30];
	v9 =	vcvt.s32.f32 v4;
	v4 =	vshll.u32 v4, $0x10;
	v10 =	vcvt.s32.f32 v5  }
0x1a8: {  	v18 =	vld [tilespmem:s31+$0x20];
	v12 =	vcvt.s32.f32 v14;
	v6 =	vadd.f32 v6, v6;
	v7 =	vadd.f32 v7, v7  }
0x1a9: {  	v11 =	vld [tilespmem:s28+$0xFFFFFFD0];
	v19 =	vcvt.s32.f32 v16;
	v9 =	vadd.f32 v9, v9;
	v10 =	vadd.f32 v10, v10  }
0x1aa: {  	v5 =	vshll.u32 v5, $0x10;
	v6 =	vadd.f32 $-1.000000000e+00, v6;
	v15 =	vadd.f32 $-1.000000000e+00, v7;
	v7 =	vld [tilespmem:s28+$0xFFFFFFE0]  }
0x1ab: {  	v20 =	vld [tilespmem:s28+$0xFFFFFFF0];
	v21 =	vcvt.s32.f32 v17;
	v12 =	vadd.f32 v12, v12;
	v19 =	vadd.f32 v19, v19  }
0x1ac: {  	v9 =	vadd.f32 $-1.000000000e+00, v9;
	v6 =	vmul.f32 v6, v8;
	v8 =	vadd.f32 $-1.000000000e+00, v10;
	v10 =	vld [tilespmem:s28+$0x0]  }
0x1ad: {  	v22 =	vld [tilespmem:s28+$0x10];
	v23 =	vcvt.s32.f32 v18;
	v13 =	vshll.u32 v13, $0x10;
	v12 =	vadd.f32 $-1.000000000e+00, v12  }
0x1ae: {  	v24 =	vsub.f32 $1.000000000e+00, v6;
	v6 =	vmul.f32 v9, v11;
	v9 =	vadd.f32 $-1.000000000e+00, v19;
	v19 =	vld [tilespmem:s28+$0x20]  }
0x1af: {  	v11 =	vadd.f32 v21, v21;
	v21 =	vld [tilespmem:s28+$0xFFFFFFC0];
	v7 =	vmul.f32 v8, v7;
	v8 =	vadd.f32 v23, v23  }
0x1b0: {  	v12 =	vmul.f32 v12, v20;
	v23 =	vsub.f32 $1.100000000e+01, v24;
	v6 =	vsub.f32 $1.000000000e+00, v6  }
0x1b1: {  	v20 =	vadd.f32 $-1.000000000e+00, v11;
	v9 =	vmul.f32 v9, v10;
	v10 =	vadd.f32 $-1.000000000e+00, v8  }
0x1b2: {  	v11 =	vsub.f32 $1.000000000e+00, v7;
	v7 =	vsub.f32 $1.000000000e+00, v12;
	v23 =	vmul.f32 $2.560000040e+01, v23  }
0x1b3: {  	v12 =	vmul.f32 v20, v22;
	v8 =	vsub.f32 $1.000000000e+00, v9;
	v9 =	vmul.f32 v10, v19  }
0x1b4: {  	v15 =	vmul.f32 v15, v21;
	v21 =	vsub.f32 $1.100000000e+01, v7;
	v19 =	vmax.f32 v23, $0.0e+00  }
0x1b5: {  	v10 =	vsub.f32 $1.000000000e+00, v12;
	v12 =	vmin.f32 v19, $5.110000000e+02;
	v19 =	vsub.f32 $1.100000000e+01, v6  }
0x1b6: {  	v18 =	vshll.u32 v18, $0x10;
	v9 =	vsub.f32 $1.000000000e+00, v9;
	v22 =	vsub.f32 $1.100000000e+01, v8  }
0x1b7: {  	v21 =	vmul.f32 $2.560000040e+01, v21;
	v20 =	vtrunc.f32 v12;
	v12 =	vsub.f32 $1.000000000e+00, v15  }
0x1b8: {  	v15 =	vsub.f32 $1.100000000e+01, v11;
	v25 =	vsub.f32 $1.100000000e+01, v10;
	v20 =	vcvt.f32.s32 v20  }
0x1b9: {  	v19 =	vmul.f32 $2.560000040e+01, v19;
	v27 =	vsub.f32 $1.100000000e+01, v9;
	v22 =	vmul.f32 $2.560000040e+01, v22  }
0x1ba: {  	v21 =	vmax.f32 v21, $0.0e+00;
	v23 =	vsub.f32 $1.100000000e+01, v12;
	v15 =	vmul.f32 $2.560000040e+01, v15  }
0x1bb: {  	v25 =	vmul.f32 $2.560000040e+01, v25;
	v21 =	vmin.f32 v21, $5.110000000e+02;
	v26 =	vshll.u32 v20, $0x3  }
0x1bc: {  	v20 =	vand.u32 $0x7F, v20;
	v19 =	vmax.f32 v19, $0.0e+00;
	v22 =	vmax.f32 v22, $0.0e+00  }
0x1bd: {  	v21 =	vtrunc.f32 v21;
	v26 =	vand.u32 $0xFFFFFC00, v26;
	v23 =	vmul.f32 $2.560000040e+01, v23  }
0x1be: {  	v15 =	vmax.f32 v15, $0.0e+00;
	v25 =	vmax.f32 v25, $0.0e+00;
	v22 =	vmin.f32 v22, $5.110000000e+02  }
0x1bf: {  	v21 =	vcvt.f32.s32 v21;
	v20 =	vor.u32 v20, v26;
	v26 =	vmul.f32 $2.560000040e+01, v27  }
0x1c0: {  	v27 =	vor.u32 $0x1, v13;
	v13 =	vmin.f32 v19, $5.110000000e+02;
	v15 =	vmin.f32 v15, $5.110000000e+02  }
0x1c1: {  	v19 =	vmax.f32 v24, $0.0e+00;
	v24 =	vmin.f32 v25, $5.110000000e+02;
	v22 =	vtrunc.f32 v22  }
0x1c2: {  	v20 =	vadd.s32 v2, v20;
	v23 =	vmax.f32 v23, $0.0e+00;
	v25 =	vtrunc.f32 v13  }
0x1c3: {  	v28 =	vtrunc.f32 v15;
	v15 =	vshll.u32 v14, $0x10;
	v14 =	vshll.u32 v16, $0x10  }
0x1c4: {  	v16 =	vtrunc.f32 v24;
	v13 =	vshll.u32 v17, $0x10;
	v22 =	vcvt.f32.s32 v22  }
0x1c5: {  	v30 =	vshll.u32 v21, $0x3;
	v21 =	vand.u32 $0x7F, v21;
	v23 =	vmin.f32 v23, $5.110000000e+02  }
0x1c6: {  	v26 =	vmax.f32 v26, $0.0e+00;
	v24 =	vcvt.f32.s32 v25;
	v25 =	vcvt.f32.s32 v28  }
0x1c7: {  	v16 =	vcvt.f32.s32 v16;
	v30 =	vand.u32 $0xFFFFFC00, v30;
	v23 =	vtrunc.f32 v23  }
0x1c8: {  	v26 =	vmin.f32 v26, $5.110000000e+02;
	v31 =	vshll.u32 v22, $0x3;
	v22 =	vand.u32 $0x7F, v22  }
0x1c9: {  	v23 =	vcvt.f32.s32 v23;
	v17 =	vtrunc.f32 v26;
	v63 =	vshll.u32 v24, $0x3  }
0x1ca: {  	v29 =	vshll.u32 v25, $0x3;
	v32 =	vshll.u32 v16, $0x3;
	v31 =	vand.u32 $0xFFFFFC00, v31  }
0x1cb: {  	v24 =	vand.u32 $0x7F, v24;
	v25 =	vand.u32 $0x7F, v25;
	v16 =	vand.u32 $0x7F, v16  }
0x1cc: {  	v17 =	vcvt.f32.s32 v17;
	v28 =	vand.u32 $0xFFFFFC00, v63;
	v29 =	vand.u32 $0xFFFFFC00, v29  }
0x1cd: {  	v32 =	vand.u32 $0xFFFFFC00, v32;
	v26 =	vshll.u32 v23, $0x3;
	v23 =	vand.u32 $0x7F, v23  }
0x1ce: {  	[tilespmem:v20+s19+$0x0] =	vst.idx.add.s32.msk $0xffff, v27;
	v27 =	vor.u32 v21, v30;
	v21 =	vor.u32 v22, v31;
	v26 =	vand.u32 $0xFFFFFC00, v26  }
0x1cf: {  	v33 =	vshll.u32 v17, $0x3;
	[tilespmem:v20+s20+$0x0] =	vst.idx.add.f32.msk $0xffff, v19;
	v17 =	vand.u32 $0x7F, v17;
	v20 =	vor.u32 v16, v32  }
0x1d0: {  	v33 =	vand.u32 $0xFFFFFC00, v33;
	v19 =	vor.u32 v23, v26;
	v23 =	vor.u32 v24, v28  }
0x1d1: {  	v24 =	vor.u32 v25, v29;
	v26 =	vadd.s32 v2, v19;
	v16 =	vor.u32 v17, v33  }
0x1d2: {  	s25 =	sadd.s32 $0x1, s25;
	s29 =	simm.s32 $0x0;
	s30 =	simm.s32 $0x60C0;
	v25 =	vadd.s32 v2, v23;
	v22 =	vadd.s32 v2, v24;
	v19 =	vadd.s32 v2, v27  }
.LBB2_7:
0x1d3: {  	v17 =	vld [tilespmem:s30+$0x30];
	v24 =	vadd.s32 v2, v21;
	v21 =	vadd.s32 v2, v20;
	v20 =	vadd.s32 v2, v16  }
0x1d4: {  	s29 =	sadd.s32 $0x8, s29;
	v12 =	vmax.f32 v12, $0.0e+00;
	v28 =	vmax.f32 v6, $0.0e+00;
	v29 =	vmax.f32 v11, $0.0e+00;
	v27 =	vld [tilespmem:s30+$0xFFFFFFC0]  }
0x1d5: {  	v30 =	vmax.f32 v7, $0.0e+00;
	v31 =	vmax.f32 v8, $0.0e+00;
	v32 =	vmax.f32 v10, $0.0e+00;
	p1 =	slt.u32 s29, $0x1F8;
	v6 =	vld [tilespmem:s30+$0xFFFFFFD0]  }
0x1d6: {  	v8 =	vor.u32 $0x1, v3;
	v10 =	vor.u32 $0x1, v4;
	v23 =	vmax.f32 v9, $0.0e+00;
	v7 =	vld [tilespmem:s30+$0xFFFFFFE0]  }
0x1d7: {  	v9 =	vor.u32 $0x1, v5;
	v15 =	vor.u32 $0x1, v15;
	v33 =	vor.u32 $0x1, v14;
	v16 =	vld [tilespmem:s30+$0xFFFFFFF0]  }
0x1d8: {  	v34 =	vor.u32 $0x1, v13;
	v35 =	vor.u32 $0x1, v18;
	s28 =	sadd.s32 $0x80, s28;
	v14 =	vld [tilespmem:s30+$0x0];
	v5 =	vcvt.s32.f32 v17  }
0x1d9: {  	v11 =	vcvt.s32.f32 v27;
	v3 =	vshll.u32 v27, $0x10;
	v27 =	vld [tilespmem:s28+$0x30]  }
0x1da: {  	v36 =	vcvt.s32.f32 v6;
	v4 =	vshll.u32 v6, $0x10;
	v13 =	vld [tilespmem:s30+$0x10];
	v6 =	vadd.f32 v5, v5  }
0x1db: {  	v11 =	vadd.f32 v11, v11;
	v37 =	vcvt.s32.f32 v7;
	v5 =	vshll.u32 v7, $0x10;
	v18 =	vld [tilespmem:s30+$0x20]  }
0x1dc: {  	v7 =	vld [tilespmem:s28+$0xFFFFFFD0];
	v36 =	vadd.f32 v36, v36;
	v38 =	vcvt.s32.f32 v16;
	v6 =	vadd.f32 $-1.000000000e+00, v6  }
0x1dd: {  	v39 =	vadd.f32 $-1.000000000e+00, v11;
	v11 =	vld [tilespmem:s28+$0xFFFFFFE0];
	v37 =	vadd.f32 v37, v37;
	v40 =	vcvt.s32.f32 v14  }
0x1de: {  	v36 =	vadd.f32 $-1.000000000e+00, v36;
	v41 =	vld [tilespmem:s28+$0xFFFFFFF0];
	v38 =	vadd.f32 v38, v38;
	v6 =	vmul.f32 v6, v27  }
0x1df: {  	v27 =	vadd.f32 $-1.000000000e+00, v37;
	v37 =	vld [tilespmem:s28+$0x0];
	v40 =	vadd.f32 v40, v40;
	v42 =	vcvt.s32.f32 v13  }
0x1e0: {  	v38 =	vadd.f32 $-1.000000000e+00, v38;
	v43 =	vld [tilespmem:s28+$0x10];
	v44 =	vcvt.s32.f32 v18;
	v45 =	vsub.f32 $1.000000000e+00, v6  }
0x1e1: {  	v6 =	vmul.f32 v36, v7;
	v7 =	vadd.f32 $-1.000000000e+00, v40;
	v36 =	vadd.f32 v42, v42;
	v40 =	vld [tilespmem:s28+$0x20]  }
0x1e2: {  	v42 =	vld [tilespmem:s28+$0xFFFFFFC0];
	v11 =	vmul.f32 v27, v11;
	v27 =	vadd.f32 v44, v44;
	v44 =	vsub.f32 $1.100000000e+01, v45  }
0x1e3: {  	v6 =	vsub.f32 $1.000000000e+00, v6;
	v38 =	vmul.f32 v38, v41;
	v36 =	vadd.f32 $-1.000000000e+00, v36;
	[tilespmem:v26+s19+$0x0] =	vst.idx.add.s32.msk $0xffff, v8  }
0x1e4: {  	v8 =	vmul.f32 v7, v37;
	v27 =	vadd.f32 $-1.000000000e+00, v27;
	v37 =	vmul.f32 $2.560000040e+01, v44;
	[tilespmem:v26+s20+$0x0] =	vst.idx.add.f32.msk $0xffff, v12  }
0x1e5: {  	v11 =	vsub.f32 $1.000000000e+00, v11;
	v7 =	vsub.f32 $1.000000000e+00, v38;
	v12 =	vmul.f32 v36, v43;
	[tilespmem:v25+s19+$0x0] =	vst.idx.add.s32.msk $0xffff, v10  }
0x1e6: {  	v8 =	vsub.f32 $1.000000000e+00, v8;
	v26 =	vmul.f32 v27, v40;
	v27 =	vmax.f32 v37, $0.0e+00;
	[tilespmem:v25+s20+$0x0] =	vst.idx.add.f32.msk $0xffff, v28  }
0x1e7: {  	v25 =	vmul.f32 v39, v42;
	v10 =	vsub.f32 $1.000000000e+00, v12;
	v12 =	vmin.f32 v27, $5.110000000e+02;
	[tilespmem:v22+s19+$0x0] =	vst.idx.add.s32.msk $0xffff, v9  }
0x1e8: {  	v27 =	vsub.f32 $1.100000000e+01, v6;
	v9 =	vsub.f32 $1.000000000e+00, v26;
	v26 =	vtrunc.f32 v12;
	[tilespmem:v22+s20+$0x0] =	vst.idx.add.f32.msk $0xffff, v29  }
0x1e9: {  	v22 =	vsub.f32 $1.100000000e+01, v11;
	v12 =	vsub.f32 $1.000000000e+00, v25;
	v25 =	vcvt.f32.s32 v26;
	[tilespmem:v19+s19+$0x0] =	vst.idx.add.s32.msk $0xffff, v15  }
0x1ea: {  	v15 =	vmul.f32 $2.560000040e+01, v27;
	v26 =	vsub.f32 $1.100000000e+01, v7;
	v27 =	vsub.f32 $1.100000000e+01, v8;
	[tilespmem:v19+s20+$0x0] =	vst.idx.add.f32.msk $0xffff, v30  }
0x1eb: {  	v28 =	vsub.f32 $1.100000000e+01, v10;
	v19 =	vsub.f32 $1.100000000e+01, v12;
	v29 =	vshll.u32 v25, $0x3;
	[tilespmem:v24+s19+$0x0] =	vst.idx.add.s32.msk $0xffff, v33  }
0x1ec: {  	v30 =	vsub.f32 $1.100000000e+01, v9;
	v25 =	vand.u32 $0x7F, v25;
	v29 =	vand.u32 $0xFFFFFC00, v29;
	[tilespmem:v24+s20+$0x0] =	vst.idx.add.f32.msk $0xffff, v31  }
0x1ed: {  	v22 =	vmul.f32 $2.560000040e+01, v22;
	v19 =	vmul.f32 $2.560000040e+01, v19;
	v24 =	vor.u32 v25, v29;
	[tilespmem:v21+s19+$0x0] =	vst.idx.add.s32.msk $0xffff, v34  }
0x1ee: {  	v25 =	vmul.f32 $2.560000040e+01, v26;
	v26 =	vmul.f32 $2.560000040e+01, v27;
	v24 =	vadd.s32 v2, v24;
	[tilespmem:v21+s20+$0x0] =	vst.idx.add.f32.msk $0xffff, v32  }
0x1ef: {  	v27 =	vmul.f32 $2.560000040e+01, v30;
	v21 =	vmul.f32 $2.560000040e+01, v28;
	v19 =	vmax.f32 v19, $0.0e+00;
	[tilespmem:v20+s19+$0x0] =	vst.idx.add.s32.msk $0xffff, v35  }
0x1f0: {  	v15 =	vmax.f32 v15, $0.0e+00;
	v22 =	vmax.f32 v22, $0.0e+00;
	v25 =	vmax.f32 v25, $0.0e+00;
	[tilespmem:v20+s20+$0x0] =	vst.idx.add.f32.msk $0xffff, v23  }
0x1f1: {  	v17 =	vshll.u32 v17, $0x10;
	v20 =	vmax.f32 v26, $0.0e+00;
	v21 =	vmax.f32 v21, $0.0e+00  }
0x1f2: {  	v17 =	vor.u32 $0x1, v17;
	v19 =	vmin.f32 v19, $5.110000000e+02;
	v23 =	vmax.f32 v27, $0.0e+00  }
0x1f3: {  	v15 =	vmin.f32 v15, $5.110000000e+02;
	v22 =	vmin.f32 v22, $5.110000000e+02;
	[tilespmem:v24+s19+$0x0] =	vst.idx.add.s32.msk $0xffff, v17;
	v17 =	vmax.f32 v45, $0.0e+00  }
0x1f4: {  	v25 =	vmin.f32 v25, $5.110000000e+02;
	v20 =	vmin.f32 v20, $5.110000000e+02;
	v21 =	vmin.f32 v21, $5.110000000e+02;
	[tilespmem:v24+s20+$0x0] =	vst.idx.add.f32.msk $0xffff, v17  }
0x1f5: {  	v23 =	vmin.f32 v23, $5.110000000e+02;
	v17 =	vtrunc.f32 v19;
	v19 =	vtrunc.f32 v15  }
0x1f6: {  	v22 =	vtrunc.f32 v22;
	v24 =	vtrunc.f32 v25;
	v15 =	vshll.u32 v16, $0x10  }
0x1f7: {  	v14 =	vshll.u32 v14, $0x10;
	v16 =	vtrunc.f32 v20;
	v20 =	vtrunc.f32 v21  }
0x1f8: {  	v13 =	vshll.u32 v13, $0x10;
	v21 =	vtrunc.f32 v23;
	v17 =	vcvt.f32.s32 v17  }
0x1f9: {  	v18 =	vshll.u32 v18, $0x10;
	v22 =	vcvt.f32.s32 v22;
	v19 =	vcvt.f32.s32 v19  }
0x1fa: {  	v24 =	vcvt.f32.s32 v24;
	v16 =	vcvt.f32.s32 v16;
	v23 =	vshll.u32 v17, $0x3  }
0x1fb: {  	v20 =	vcvt.f32.s32 v20;
	v21 =	vcvt.f32.s32 v21;
	v25 =	vshll.u32 v19, $0x3  }
0x1fc: {  	v26 =	vshll.u32 v22, $0x3;
	v27 =	vshll.u32 v24, $0x3;
	v28 =	vshll.u32 v16, $0x3  }
0x1fd: {  	v29 =	vshll.u32 v20, $0x3;
	v30 =	vshll.u32 v21, $0x3;
	v23 =	vand.u32 $0xFFFFFC00, v23  }
0x1fe: {  	v26 =	vand.u32 $0xFFFFFC00, v26;
	v25 =	vand.u32 $0xFFFFFC00, v25;
	v27 =	vand.u32 $0xFFFFFC00, v27  }
0x1ff: {  	v28 =	vand.u32 $0xFFFFFC00, v28;
	v29 =	vand.u32 $0xFFFFFC00, v29;
	v30 =	vand.u32 $0xFFFFFC00, v30  }
0x200: {  	v22 =	vand.u32 $0x7F, v22;
	v17 =	vand.u32 $0x7F, v17;
	v19 =	vand.u32 $0x7F, v19  }
.Ltmp2:
0x201: {  	v24 =	vand.u32 $0x7F, v24;
	v16 =	vand.u32 $0x7F, v16;
	v20 =	vand.u32 $0x7F, v20;
	(pc) =	sbr.rel @p1 .LBB2_7-.Ltmp2, $4  }
0x202: {  	v17 =	vor.u32 v17, v23;
	v19 =	vor.u32 v19, v25;
	v23 =	vand.u32 $0x7F, v21  }
0x203: {  	v22 =	vor.u32 v22, v26;
	v24 =	vor.u32 v24, v27;
	v21 =	vor.u32 v16, v28  }
0x204: {  	v20 =	vor.u32 v20, v29;
	v26 =	vadd.s32 v2, v17;
	v16 =	vor.u32 v23, v30  }
0x205: {  	s30 =	sadd.s32 $0x80, s30;
	v22 =	vadd.s32 v2, v22;
	v25 =	vadd.s32 v2, v19;
	v19 =	vadd.s32 v2, v24  }
0x206: {  	_ =	sdelay $0x2  }
0x207: {  	v3 =	vor.u32 $0x1, v3  }
0x208: {  	v5 =	vor.u32 $0x1, v5;
	[tilespmem:v26+s19+$0x0] =	vst.idx.add.s32.msk $0xffff, v3  }
0x209: {  	v57 =	vor.u32 $0x1, v15;
	[tilespmem:v22+s19+$0x0] =	vst.idx.add.s32.msk $0xffff, v5  }
0x20a: {  	v12 =	vmax.f32 v12, $0.0e+00;
	[tilespmem:v19+s19+$0x0] =	vst.idx.add.s32.msk $0xffff, v57  }
0x20b: {  	v56 =	vadd.s32 v2, v20;
	v3 =	vor.u32 $0x1, v4;
	[tilespmem:v26+s20+$0x0] =	vst.idx.add.f32.msk $0xffff, v12  }
0x20c: {  	v55 =	vmax.f32 v11, $0.0e+00;
	v59 =	vadd.s32 v2, v16;
	[tilespmem:v25+s19+$0x0] =	vst.idx.add.s32.msk $0xffff, v3  }
0x20d: {  	v58 =	vmax.f32 v7, $0.0e+00;
	v3 =	vadd.s32 v2, v21;
	[tilespmem:v22+s20+$0x0] =	vst.idx.add.f32.msk $0xffff, v55  }
0x20e: {  	v54 =	vmax.f32 v6, $0.0e+00;
	[tilespmem:v19+s20+$0x0] =	vst.idx.add.f32.msk $0xffff, v58  }
0x20f: {  	v62 =	vor.u32 $0x1, v13;
	[tilespmem:v25+s20+$0x0] =	vst.idx.add.f32.msk $0xffff, v54  }
0x210: {  	v63 =	vor.u32 $0x1, v18;
	[tilespmem:v56+s19+$0x0] =	vst.idx.add.s32.msk $0xffff, v62  }
0x211: {  	v60 =	vor.u32 $0x1, v14;
	[tilespmem:v59+s19+$0x0] =	vst.idx.add.s32.msk $0xffff, v63  }
0x212: {  	v61 =	vmax.f32 v8, $0.0e+00;
	[tilespmem:v3+s19+$0x0] =	vst.idx.add.s32.msk $0xffff, v60  }
0x213: {  	s1 =	sadd.s32 @!p0 s26, s10;
	[tilespmem:v3+s20+$0x0] =	vst.idx.add.f32.msk $0xffff, v61;
	v3 =	vmax.f32 v10, $0.0e+00  }
0x214: {  	s1 =	sshrl.u32 @!p0 s1, $0x3;
	[tilespmem:v56+s20+$0x0] =	vst.idx.add.f32.msk $0xffff, v3;
	v3 =	vmax.f32 v9, $0.0e+00  }
0x215: {  	s5 =	simm.s32 @!p0 $0x0;
	s6 =	simm.s32 @!p0 $0x4000;
	s3 =	sadd.s32 @!p0 s0, s1;
	[tilespmem:v59+s20+$0x0] =	vst.idx.add.f32.msk $0xffff, v3  }
0x216: {  	[tilespmem:s6], [sflag:$0x3] =	stream.linear.gather @!p0 [hbm4b:s3+s5], $0x2000, $0x38;
	[tilespmem:$0xC000] =	vst v63  }
0x217: {  	p1 =	sne.s32 @!p0 s25, $0x8;
	s1 =	sadd.s32 @!p0 s2, s1;
	s3 =	simm.s32 @!p0 $0x6000  }
0x218: {  	[tilespmem:s3], [sflag:$0x4] =	stream.linear.gather @!p0 [hbm4b:s1+s5], $0x2000, $0x38;
	[tilespmem:$0xC000] =	vst v63  }
0x219: {  	p0 =	por p0, !p1  }
.Ltmp3:
0x21a: {  	_ = 	snop;
	(pc) =	sbr.rel @!p0 .LBB2_4-.Ltmp3, $1  }
0x21b: {  	_ =	sdelay $0x3  }
0x21c: {  	s1 =	rddreg [dreg:$0x8]  }
0x21d: {  	[hbm4b:s1+s4] =	stream.linear.scatter [tilespmem:s19], [sflag:$0x5], $0x2000, $0x38;
	[tilespmem:$0xC000] =	vst v63  }
0x21e: {  	s24 =	sadd.s32 $0x1, s24;
	_ =	swait.ge [sflag:s23], $0x2000  }
0x21f: {  	p0 =	sne.s32 s24, s13;
	[sflag:s23] =	ssyncset.done $0x0  }
.Ltmp4:
0x220: {  	s31 =	rddreg [dreg:$0x9];
	[sflag:s23] =	ssyncadd.s32 $0xFFFFE000;
	(pc) =	sbr.rel @p0 .LBB2_1-.Ltmp4, $4  }
0x221: {  	[hbm4b:s31+s4] =	stream.linear.scatter [tilespmem:s20], [sflag:$0x5], $0x2000, $0x38;
	[tilespmem:$0xC000] =	vst v63  }
0x222: {  	_ =	swait.ge [sflag:s23], $0x2000  }
0x223: {  	[sflag:s23] =	ssyncset.done $0x0  }
0x224: {  	[sflag:s23] =	ssyncadd.s32 $0xFFFFE000  }
0x225: {  	_ =	sfence.sel $0x180000  }
0x226: {  	[bflag:$0x0] =	sbarrier.arrive $0xFFFF  }
0x227: {  	_ =	strace $0x90000047  }
0x228: {  	s0 =	stileid.u32;
	[bflag:$0x2] =	sbarrier.arrive $0xFFFF  }
0x229: {  	p0 =	sne.s32 s0, $0x0;
	s0 =	rddreg [dreg:$0x3]  }
0x22a: {  	s0 =	sadd.s32 @!p0 $0x100000, s0  }
0x22b: {  	[sflag:s0] =	ssyncadd.tile.s32 @!p0 $0x1;
	_ =	shalt  }
.Lfunc_end2:
_tile_overlayer_lowered:
.L_overlay_start_2:
0x22c: {  	(tag) =	ssettag $0x2  }
0x22d: {  	s0 =	rddreg [dreg:$0x0];
	s2 =	stileid.u32  }
0x22e: {  	s1 =	rddreg [dreg:$0x1];
	p0 =	sne.s32 s2, $0x0  }
0x22f: {  	s3 =	rddreg [dreg:$0x2];
	[bflag:$0x3] =	sbarrier.arrive $0xFFFF;
	s2 =	simm.s32 @!p0 $0x1C05  }
0x230: {  	[timem:s3], [sflag:s2] =	dma.local @!p0 [hbm:s0], s1  }
0x231: {  	s0 =	simm.s32 @!p0 $0x5  }
0x232: {  	_ =	swait.ge @!p0 [sflag:s0], s1  }
0x233: {  	s1 =	ssub.s32 @!p0 $0x0, s1;
	[sflag:s0] =	ssyncset.done @!p0 $0x0  }
0x234: {  	[sflag:s0] =	ssyncadd.s32 @!p0 s1  }
0x235: {  	[bflag:$0x3] =	sbarrier.arrive $0xFFFF  }
0x236: {  	_ =	shalt  }

</sc_bundles>
